<compile_context>
chip_gen: v7x
topology: tpu7x:2x2x1
jax: 0.10.2.dev20260603
libtpu: 0.0.44.dev20260713+nightly
codegen_flags: <defaults>
</compile_context>

<pallas_src>
import functools

import jax
import jax.numpy as jnp
import numpy as np
from jax import lax
from jax.experimental import pallas as pl
from jax.experimental.pallas import tpu as pltpu
from jax.experimental.pallas import tpu_sc as plsc

_B, _N, _K = 4, 4096, 16
_C = 32
_QA = 256
_QC = 512
_TBL = 128
_ROWS = _B * _N * _K
_CHUNK = 128


def _phase_a(pts8, feats, Wq, bq, Wk, bk, Wv, bv):
    grid = (_B, _N // _QA)

    def body(pall_ref, pq_ref, f_ref, wq_ref, bq_ref, wk_ref, bk_ref,
             wv_ref, bv_ref, tbl_ref, idx_ref):
        b = pl.program_id(0)
        pall = pall_ref[0]
        pq = pq_ref[0]
        sq_all = jnp.sum(pall * pall, axis=0, keepdims=True)
        sq_q = jnp.sum(pq * pq, axis=0)[:, None]
        dn = (((0,), (0,)), ((), ()))
        cross = lax.dot_general(pq, pall, dn,
                                preferred_element_type=jnp.float32)
        d = (sq_q + sq_all) - 2.0 * cross
        s = -d
        iota = lax.broadcasted_iota(jnp.int32, (_QA, _N), 1)
        big = jnp.int32(2147483647)
        cols = []
        for _ in range(_K):
            m = jnp.max(s, axis=1, keepdims=True)
            ik = jnp.min(jnp.where(s == m, iota, big), axis=1, keepdims=True)
            cols.append(ik)
            s = jnp.where(iota == ik, -jnp.inf, s)
        idx_ref[0] = jnp.concatenate(cols, axis=1) + b * _N

        f = f_ref[0]
        q = lax.dot_general(f, wq_ref[...], dn,
                            preferred_element_type=jnp.float32) + bq_ref[...]
        kf = lax.dot_general(f, wk_ref[...], dn,
                             preferred_element_type=jnp.float32) + bk_ref[...]
        v = lax.dot_general(f, wv_ref[...], dn,
                            preferred_element_type=jnp.float32) + bv_ref[...]
        eye = jnp.eye(8, 3, dtype=jnp.float32)
        xyz = lax.dot_general(pq, eye, dn,
                              preferred_element_type=jnp.float32)
        pad = jnp.zeros((_QA, _TBL - 99), jnp.float32)
        tbl_ref[0] = jnp.concatenate([kf, v, q, xyz, pad], axis=1)

    return pl.pallas_call(
        body,
        grid=grid,
        in_specs=[
            pl.BlockSpec((1, 8, _N), lambda b, i: (b, 0, 0)),
            pl.BlockSpec((1, 8, _QA), lambda b, i: (b, 0, i)),
            pl.BlockSpec((1, _C, _QA), lambda b, i: (b, 0, i)),
            pl.BlockSpec((_C, _C), lambda b, i: (0, 0)),
            pl.BlockSpec((1, _C), lambda b, i: (0, 0)),
            pl.BlockSpec((_C, _C), lambda b, i: (0, 0)),
            pl.BlockSpec((1, _C), lambda b, i: (0, 0)),
            pl.BlockSpec((_C, _C), lambda b, i: (0, 0)),
            pl.BlockSpec((1, _C), lambda b, i: (0, 0)),
        ],
        out_specs=(
            pl.BlockSpec((1, _QA, _TBL), lambda b, i: (b, i, 0)),
            pl.BlockSpec((1, _QA, _K), lambda b, i: (b, i, 0)),
        ),
        out_shape=(
            jax.ShapeDtypeStruct((_B, _N, _TBL), jnp.float32),
            jax.ShapeDtypeStruct((_B, _N, _K), jnp.int32),
        ),
    )(pts8, pts8, feats, Wq, bq, Wk, bk, Wv, bv)


def _sc_gather(tbl, idxf):
    info = plsc.get_sparse_core_info()
    nw = info.num_cores * info.num_subcores
    r_per_w = _ROWS // nw
    nch = r_per_w // _CHUNK
    mesh = plsc.VectorSubcoreMesh(core_axis_name="c", subcore_axis_name="s")

    @functools.partial(
        pl.kernel,
        mesh=mesh,
        out_type=jax.ShapeDtypeStruct((_ROWS, _TBL), jnp.float32),
        scratch_types=[
            pltpu.VMEM((r_per_w,), jnp.int32),
            pltpu.VMEM((_CHUNK, _TBL), jnp.float32),
            pltpu.SemaphoreType.DMA,
        ],
    )
    def gk(tbl_hbm, idx_hbm, out_hbm, idx_v, rows_v, sem):
        wid = lax.axis_index("s") * info.num_cores + lax.axis_index("c")
        base = wid * r_per_w
        pltpu.sync_copy(idx_hbm.at[pl.ds(base, r_per_w)], idx_v)

        def chunk(i, carry):
            off = pl.multiple_of(i * _CHUNK, _CHUNK)
            pltpu.async_copy(tbl_hbm.at[idx_v.at[pl.ds(off, _CHUNK)]],
                             rows_v, sem).wait()
            pltpu.sync_copy(rows_v, out_hbm.at[pl.ds(base + off, _CHUNK)])
            return carry

        lax.fori_loop(0, nch, chunk, 0)

    return gk(tbl, idxf)


def _phase_c(g4, table, pe_W1p, pe_g1p, pe_b1p, pe_W2p, pe_b2,
             at_g1, at_be1, at_W1, at_g2, at_be2, at_W2, at_b2):
    grid = (_B, _N // _QC)
    inv = float(1.0 / np.sqrt(np.float32(1.0 + 1e-5), dtype=np.float32))

    def body(g_ref, t_ref, w1_ref, g1_ref, b1_ref, w2_ref, pb2_ref,
             ag1_ref, ab1_ref, aw1_ref, ag2_ref, ab2_ref, aw2_ref, abb2_ref,
             y_ref):
        g = g_ref[0]
        t = t_ref[0]
        gk = g[:, :, 0:32]
        gv = g[:, :, 32:64]
        gx = g[:, :, 96:104]
        q = t[:, 64:96]
        cx = t[:, 96:104]
        rel = (gx - cx[None]).reshape(_K * _QC, 8)
        r = jnp.dot(rel, w1_ref[...], preferred_element_type=jnp.float32)
        r = jnp.maximum((r * inv) * g1_ref[...] + b1_ref[...], 0.0)
        n_r = jnp.dot(r, w2_ref[...],
                      preferred_element_type=jnp.float32) + pb2_ref[...]
        n_r3 = n_r.reshape(_K, _QC, _C)
        a = (q[None] - gk) + n_r3
        a = jnp.maximum((a * inv) * ag1_ref[...] + ab1_ref[...], 0.0)
        a = a.reshape(_K * _QC, _C)
        a = jnp.dot(a, aw1_ref[...], preferred_element_type=jnp.float32)
        a = jnp.maximum((a * inv) * ag2_ref[...] + ab2_ref[...], 0.0)
        a = jnp.dot(a, aw2_ref[...],
                    preferred_element_type=jnp.float32) + abb2_ref[...]
        a = a.reshape(_K, _QC, _C)
        m = jnp.max(a, axis=0, keepdims=True)
        e = jnp.exp(a - m)
        attn = e / jnp.sum(e, axis=0, keepdims=True)
        y_ref[0] = jnp.sum((gv + n_r3) * attn, axis=0)

    wspec = lambda shape: pl.BlockSpec(shape, lambda b, i: tuple(0 for _ in shape))
    return pl.pallas_call(
        body,
        grid=grid,
        in_specs=[
            pl.BlockSpec((1, _K, _QC, _TBL), lambda b, i: (b, 0, i, 0)),
            pl.BlockSpec((1, _QC, _TBL), lambda b, i: (b, i, 0)),
            wspec((8, 8)),
            wspec((1, 8)),
            wspec((1, 8)),
            wspec((8, _C)),
            wspec((1, _C)),
            wspec((1, _C)),
            wspec((1, _C)),
            wspec((_C, _C)),
            wspec((1, _C)),
            wspec((1, _C)),
            wspec((_C, _C)),
            wspec((1, _C)),
        ],
        out_specs=pl.BlockSpec((1, _QC, _C), lambda b, i: (b, i, 0)),
        out_shape=jax.ShapeDtypeStruct((_B, _N, _C), jnp.float32),
    )(g4, table, pe_W1p, pe_g1p, pe_b1p, pe_W2p, pe_b2,
      at_g1, at_be1, at_W1, at_g2, at_be2, at_W2, at_b2)


def kernel(points, features, Wq, bq, Wk, bk, Wv, bv, pe_W1, pe_g1, pe_b1,
           pe_W2, pe_bias2, at_g1, at_be1, at_W1, at_g2, at_be2, at_W2,
           at_b2):
    pts_t = jnp.transpose(points, (0, 2, 1))
    pts8 = jnp.concatenate(
        [pts_t, jnp.zeros((_B, 5, _N), jnp.float32)], axis=1)
    table, idx = _phase_a(pts8, features,
                          Wq, bq.reshape(1, _C), Wk, bk.reshape(1, _C),
                          Wv, bv.reshape(1, _C))
    idx_flat = jnp.transpose(idx, (0, 2, 1)).reshape(-1)
    gathered = _sc_gather(table.reshape(_B * _N, _TBL), idx_flat)
    g4 = gathered.reshape(_B, _K, _N, _TBL)

    z = jnp.zeros((8, 8), jnp.float32)
    pe_W1p = z.at[:3, :3].set(pe_W1)
    pe_g1p = jnp.zeros((1, 8), jnp.float32).at[0, :3].set(pe_g1)
    pe_b1p = jnp.zeros((1, 8), jnp.float32).at[0, :3].set(pe_b1)
    pe_W2p = jnp.zeros((8, _C), jnp.float32).at[:3, :].set(pe_W2)

    y = _phase_c(g4, table, pe_W1p, pe_g1p, pe_b1p, pe_W2p,
                 pe_bias2.reshape(1, _C), at_g1.reshape(1, _C),
                 at_be1.reshape(1, _C), at_W1, at_g2.reshape(1, _C),
                 at_be2.reshape(1, _C), at_W2, at_b2.reshape(1, _C))
    return (points, jnp.transpose(y, (0, 2, 1)))

# --- scband reference (transcript-rebuilt; emitter-appended) ---
"""Pipeline reference for scband-point-transformer-layer-39857296507162 (READ-ONLY COPY).

The authoritative reference and input builder live on the scoring server;
editing this copy changes nothing except your own understanding.
"""

import jax, jax.numpy as jnp
import numpy as np

B, N, K = 4, 4096, 16
C_IN, C_OUT = 32, 32


def setup_inputs(seed: int = 0):
    key = jax.random.key(seed)
    ks = jax.random.split(key, 16)
    s = 0.1
    inp = {}
    inp['points'] = jax.random.normal(ks[0], (B, N, 3), dtype=jnp.float32)
    inp['features'] = jax.random.normal(ks[1], (B, C_IN, N), dtype=jnp.float32)
    inp['Wq'] = jax.random.normal(ks[2], (C_IN, C_OUT), dtype=jnp.float32) * s
    inp['bq'] = jnp.zeros((C_OUT,), dtype=jnp.float32)
    inp['Wk'] = jax.random.normal(ks[3], (C_IN, C_OUT), dtype=jnp.float32) * s
    inp['bk'] = jnp.zeros((C_OUT,), dtype=jnp.float32)
    inp['Wv'] = jax.random.normal(ks[4], (C_IN, C_OUT), dtype=jnp.float32) * s
    inp['bv'] = jnp.zeros((C_OUT,), dtype=jnp.float32)
    inp['pe_W1'] = jax.random.normal(ks[5], (3, 3), dtype=jnp.float32) * s
    inp['pe_g1'] = jnp.ones((3,), dtype=jnp.float32)
    inp['pe_b1'] = jnp.zeros((3,), dtype=jnp.float32)
    inp['pe_W2'] = jax.random.normal(ks[6], (3, C_OUT), dtype=jnp.float32) * s
    inp['pe_bias2'] = jnp.zeros((C_OUT,), dtype=jnp.float32)
    inp['at_g1'] = jnp.ones((C_OUT,), dtype=jnp.float32)
    inp['at_be1'] = jnp.zeros((C_OUT,), dtype=jnp.float32)
    inp['at_W1'] = jax.random.normal(ks[7], (C_OUT, C_OUT), dtype=jnp.float32) * s
    inp['at_g2'] = jnp.ones((C_OUT,), dtype=jnp.float32)
    inp['at_be2'] = jnp.zeros((C_OUT,), dtype=jnp.float32)
    inp['at_W2'] = jax.random.normal(ks[8], (C_OUT, C_OUT), dtype=jnp.float32) * s
    inp['at_b2'] = jnp.zeros((C_OUT,), dtype=jnp.float32)
    return inp


def _bn(x, g, b):
    # BatchNorm with running_mean=0, running_var=1 (inference-style math)
    return x / jnp.sqrt(1.0 + 1e-5) * g + b


def _knn_idx(points, k):
    sq = jnp.sum(points * points, axis=-1)
    d = sq[:, :, None] + sq[:, None, :] - 2.0 * jnp.einsum('bnd,bmd->bnm', points, points)
    _, idx = jax.lax.top_k(-d, k)
    return idx


def _gather(feat, idx):
    # feat: [B, N, C], idx: [B, N, K] -> [B, N, K, C]
    return jax.vmap(lambda f, i: f[i])(feat, idx)


def reference(points, features, Wq, bq, Wk, bk, Wv, bv, pe_W1, pe_g1, pe_b1, pe_W2, pe_bias2, at_g1, at_be1, at_W1, at_g2, at_be2, at_W2, at_b2):
    f = jnp.transpose(features, (0, 2, 1))  # [B, N, C_IN]
    q = f @ Wq + bq
    kf = f @ Wk + bk
    v = f @ Wv + bv
    idx = _knn_idx(points, K)
    rel = _gather(points, idx) - points[:, :, None, :]  # grouped relative xyz [B,N,K,3]
    gk = _gather(kf, idx)   # grouped key features
    gv = _gather(v, idx)    # grouped value features (use_xyz=False)
    r = rel @ pe_W1
    r = jax.nn.relu(_bn(r, pe_g1, pe_b1))
    n_r = r @ pe_W2 + pe_bias2
    n_v = gv + n_r
    a = q[:, :, None, :] - gk + n_r
    a = jax.nn.relu(_bn(a, at_g1, at_be1))
    a = a @ at_W1
    a = jax.nn.relu(_bn(a, at_g2, at_be2))
    a = a @ at_W2 + at_b2
    attn = jax.nn.softmax(a, axis=2)  # softmax over neighbors (torch dim=-1 on [B,C,N,K])
    y = jnp.sum(n_v * attn, axis=2)   # [B, N, C_OUT]
    return (points, jnp.transpose(y, (0, 2, 1)))

if __name__ == "__main__":
    import jax
    _d = setup_inputs()
    print(jax.jit(kernel)(*tuple(_d.values())))

</pallas_src>

<mosaic_0001>
#map = affine_map<(d0, d1) -> (0, 0)>
#map1 = affine_map<(d0, d1) -> (0)>
module attributes {stable_mosaic.version = 14 : i64} {
  func.func @gk(%arg0: i32, %arg1: i32, %arg2: memref<16384x128xf32, #tpu.memory_space<hbm>>, %arg3: memref<262144xi32, #tpu.memory_space<hbm>>, %arg4: memref<262144x128xf32, #tpu.memory_space<hbm>>, %arg5: memref<8192xi32, #tpu.memory_space<vmem>>, %arg6: memref<128x128xf32, #tpu.memory_space<vmem>>, %arg7: memref<!tpu.dma_semaphore, #tpu.memory_space<semaphore_mem>>) attributes {dimension_semantics = [#tpu.dimension_semantics<core_parallel>, #tpu.dimension_semantics<subcore_parallel>], iteration_bounds = array<i64: 2, 16>, scalar_prefetch = 0 : i64, scratch_operands = 3 : i64, tpu.core_type = #tpu.core_type<sc_vector_subcore>, window_params = [{transform_indices = #map}, {transform_indices = #map1}, {transform_indices = #map}]} {
    %mul3A = arith.constant 2 : i32
    %mul3A_0 = arith.muli %arg1, %mul3A : i32
    %add3A = arith.addi %mul3A_0, %arg0 : i32
    %mul3A_1 = arith.constant 8192 : i32
    %mul3A_2 = arith.muli %add3A, %mul3A_1 : i32
    "tpu.region"() ({
      %run_scoped3A = tpu.sem_alloc : memref<!tpu.dma_semaphore, #tpu.memory_space<semaphore_mem>>
      %dma_start3A = tpu.memref_slice %arg3[%mul3A_2] : memref<262144xi32, #tpu.memory_space<hbm>> -> memref<8192xi32, #tpu.memory_space<hbm>>
      %dma_start3A_8 = tpu.memref_slice %arg3[%mul3A_2] : memref<262144xi32, #tpu.memory_space<hbm>> -> memref<8192xi32, #tpu.memory_space<hbm>>
      tpu.enqueue_dma source(%dma_start3A_8 : memref<8192xi32, #tpu.memory_space<hbm>>) target(%arg5 : memref<8192xi32, #tpu.memory_space<vmem>>) target_semaphore(%run_scoped3A : memref<!tpu.dma_semaphore, #tpu.memory_space<semaphore_mem>>)
      %dma_wait3A = tpu.memref_slice %arg3[%mul3A_2] : memref<262144xi32, #tpu.memory_space<hbm>> -> memref<8192xi32, #tpu.memory_space<hbm>>
      %dma_wait3A_9 = tpu.memref_slice %arg3[%mul3A_2] : memref<262144xi32, #tpu.memory_space<hbm>> -> memref<8192xi32, #tpu.memory_space<hbm>>
      tpu.wait_dma2 semaphore(%run_scoped3A : memref<!tpu.dma_semaphore, #tpu.memory_space<semaphore_mem>>) src(%dma_wait3A_9 : memref<8192xi32, #tpu.memory_space<hbm>>) dst(%arg5 : memref<8192xi32, #tpu.memory_space<vmem>>)
      tpu.yield
    }) : () -> ()
    %scan3A = arith.constant 0 : i32
    %scan3A_3 = arith.constant 0 : i32
    %scan3A_4 = arith.constant 64 : i32
    %scan3A_5 = arith.addi %scan3A_3, %scan3A_4 : i32
    %scan3A_6 = arith.constant 1 : i32
    scf.for %scan3A_8 = %scan3A_3 to %scan3A_5 step %scan3A_6  : i32 {
      %mul3A_9 = arith.constant 128 : i32
      %mul3A_10 = arith.muli %scan3A_8, %mul3A_9 : i32
      %multiple_of3A = tpu.assume_multiple %mul3A_10, 128 : i32
      %dma_start3A = tpu.memref_slice %arg5[%multiple_of3A] : memref<8192xi32, #tpu.memory_space<vmem>> -> memref<128xi32, #tpu.memory_space<vmem>>
      %dma_start3A_11 = arith.constant 0 : i32
      %dma_start3A_12 = arith.constant 0 : i32
      %dma_start3A_13 = tpu.memref_slice %arg2[%dma_start3A_11, %dma_start3A_12] : memref<16384x128xf32, #tpu.memory_space<hbm>> -> memref<16384x128xf32, #tpu.memory_space<hbm>>
      tpu.enqueue_indirect_dma source(%dma_start3A_13 : memref<16384x128xf32, #tpu.memory_space<hbm>>) target(%arg6 : memref<128x128xf32, #tpu.memory_space<vmem>>) offsets(%dma_start3A : memref<128xi32, #tpu.memory_space<vmem>>) semaphore(%arg7 : memref<!tpu.dma_semaphore, #tpu.memory_space<semaphore_mem>>)
      %dma_wait3A = tpu.memref_slice %arg5[%multiple_of3A] : memref<8192xi32, #tpu.memory_space<vmem>> -> memref<128xi32, #tpu.memory_space<vmem>>
      %dma_wait3A_14 = arith.constant 0 : i32
      %dma_wait3A_15 = arith.constant 0 : i32
      %dma_wait3A_16 = tpu.memref_slice %arg2[%dma_wait3A_14, %dma_wait3A_15] : memref<16384x128xf32, #tpu.memory_space<hbm>> -> memref<16384x128xf32, #tpu.memory_space<hbm>>
      tpu.wait_indirect_dma semaphore(%arg7 : memref<!tpu.dma_semaphore, #tpu.memory_space<semaphore_mem>>) src(%dma_wait3A_16 : memref<16384x128xf32, #tpu.memory_space<hbm>>) dst(%arg6 : memref<128x128xf32, #tpu.memory_space<vmem>>)
      %add3A_17 = arith.addi %mul3A_2, %multiple_of3A : i32
      "tpu.region"() ({
        %run_scoped3A = tpu.sem_alloc : memref<!tpu.dma_semaphore, #tpu.memory_space<semaphore_mem>>
        %dma_start3A_18 = arith.constant 0 : i32
        %dma_start3A_19 = tpu.memref_slice %arg4[%add3A_17, %dma_start3A_18] : memref<262144x128xf32, #tpu.memory_space<hbm>> -> memref<128x128xf32, #tpu.memory_space<hbm>>
        %dma_start3A_20 = arith.constant 0 : i32
        %dma_start3A_21 = tpu.memref_slice %arg4[%add3A_17, %dma_start3A_20] : memref<262144x128xf32, #tpu.memory_space<hbm>> -> memref<128x128xf32, #tpu.memory_space<hbm>>
        tpu.enqueue_dma source(%arg6 : memref<128x128xf32, #tpu.memory_space<vmem>>) target(%dma_start3A_21 : memref<128x128xf32, #tpu.memory_space<hbm>>) target_semaphore(%run_scoped3A : memref<!tpu.dma_semaphore, #tpu.memory_space<semaphore_mem>>)
        %dma_wait3A_22 = arith.constant 0 : i32
        %dma_wait3A_23 = tpu.memref_slice %arg4[%add3A_17, %dma_wait3A_22] : memref<262144x128xf32, #tpu.memory_space<hbm>> -> memref<128x128xf32, #tpu.memory_space<hbm>>
        %dma_wait3A_24 = arith.constant 0 : i32
        %dma_wait3A_25 = tpu.memref_slice %arg4[%add3A_17, %dma_wait3A_24] : memref<262144x128xf32, #tpu.memory_space<hbm>> -> memref<128x128xf32, #tpu.memory_space<hbm>>
        tpu.wait_dma2 semaphore(%run_scoped3A : memref<!tpu.dma_semaphore, #tpu.memory_space<semaphore_mem>>) src(%arg6 : memref<128x128xf32, #tpu.memory_space<vmem>>) dst(%dma_wait3A_25 : memref<128x128xf32, #tpu.memory_space<hbm>>)
        tpu.yield
      }) : () -> ()
    }
    %scan3A_7 = arith.constant 64 : i32
    return
  }
}

module attributes {stable_mosaic.version = 14 : i64} {
  func.func @body(%arg0: i32, %arg1: i32, %arg2: memref<1x8x4096xf32, #tpu.memory_space<vmem>>, %arg3: memref<1x8x256xf32, #tpu.memory_space<vmem>>, %arg4: memref<1x32x256xf32, #tpu.memory_space<vmem>>, %arg5: memref<32x32xf32, #tpu.memory_space<vmem>>, %arg6: memref<1x32xf32, #tpu.memory_space<vmem>>, %arg7: memref<32x32xf32, #tpu.memory_space<vmem>>, %arg8: memref<1x32xf32, #tpu.memory_space<vmem>>, %arg9: memref<32x32xf32, #tpu.memory_space<vmem>>, %arg10: memref<1x32xf32, #tpu.memory_space<vmem>>, %arg11: memref<1x256x128xf32, #tpu.memory_space<vmem>>, %arg12: memref<1x256x16xi32, #tpu.memory_space<vmem>>) attributes {dimension_semantics = [#tpu.dimension_semantics<arbitrary>, #tpu.dimension_semantics<arbitrary>], iteration_bounds = array<i64: 4, 16>, scalar_prefetch = 0 : i64, scratch_operands = 0 : i64, tpu.core_type = #tpu.core_type<tc>, window_params = [{transform_indices = @transform_0, window_bounds = array<i64: 1, 8, 4096>}, {transform_indices = @transform_1, window_bounds = array<i64: 1, 8, 256>}, {transform_indices = @transform_2, window_bounds = array<i64: 1, 32, 256>}, {pipeline_mode = #tpu.pipeline_mode<synchronous>, transform_indices = @transform_3, window_bounds = array<i64: 32, 32>}, {pipeline_mode = #tpu.pipeline_mode<synchronous>, transform_indices = @transform_4, window_bounds = array<i64: 1, 32>}, {pipeline_mode = #tpu.pipeline_mode<synchronous>, transform_indices = @transform_5, window_bounds = array<i64: 32, 32>}, {pipeline_mode = #tpu.pipeline_mode<synchronous>, transform_indices = @transform_6, window_bounds = array<i64: 1, 32>}, {pipeline_mode = #tpu.pipeline_mode<synchronous>, transform_indices = @transform_7, window_bounds = array<i64: 32, 32>}, {pipeline_mode = #tpu.pipeline_mode<synchronous>, transform_indices = @transform_8, window_bounds = array<i64: 1, 32>}, {transform_indices = @transform_9, window_bounds = array<i64: 1, 256, 128>}, {transform_indices = @transform_10, window_bounds = array<i64: 1, 256, 16>}]} {
    %get3A = arith.constant 0 : index
    %get3A_0 = arith.constant 0 : index
    %get3A_1 = arith.constant 0 : index
    %get3A_2 = vector.load %arg2[%get3A, %get3A_0, %get3A_1] : memref<1x8x4096xf32, #tpu.memory_space<vmem>>, vector<1x8x4096xf32>
    %get3A_3 = vector.shape_cast %get3A_2 : vector<1x8x4096xf32> to vector<8x4096xf32>
    %get3A_4 = arith.constant 0 : index
    %get3A_5 = arith.constant 0 : index
    %get3A_6 = arith.constant 0 : index
    %get3A_7 = vector.load %arg3[%get3A_4, %get3A_5, %get3A_6] : memref<1x8x256xf32, #tpu.memory_space<vmem>>, vector<1x8x256xf32>
    %get3A_8 = vector.shape_cast %get3A_7 : vector<1x8x256xf32> to vector<8x256xf32>
    %mul3A = arith.mulf %get3A_3, %get3A_3 : vector<8x4096xf32>
    %reduce_sum3A = arith.constant dense<0.000000e+00> : vector<4096xf32>
    %reduce_sum3A_9 = vector.multi_reduction <add>, %mul3A, %reduce_sum3A [0] : vector<8x4096xf32> to vector<4096xf32>
    %broadcast_in_dim3A = vector.shape_cast %reduce_sum3A_9 : vector<4096xf32> to vector<1x4096xf32>
    %mul3A_10 = arith.mulf %get3A_8, %get3A_8 : vector<8x256xf32>
    %reduce_sum3A_11 = arith.constant dense<0.000000e+00> : vector<256xf32>
    %reduce_sum3A_12 = vector.multi_reduction <add>, %mul3A_10, %reduce_sum3A_11 [0] : vector<8x256xf32> to vector<256xf32>
    %broadcast_in_dim3A_13 = vector.shape_cast %reduce_sum3A_12 : vector<256xf32> to vector<256x1xf32>
    %dot_general3A = arith.constant dense<0.000000e+00> : vector<256x4096xf32>
    %dot_general3A_14 = tpu.matmul %get3A_8, %get3A_3, %dot_general3A {dimension_numbers = #tpu.dot_dimension_numbers<[0], [0], [1], [1], [0, 1, 1, 1], [], []>, transpose_lhs_hint = false} : vector<8x256xf32>, vector<8x4096xf32>, vector<256x4096xf32> -> vector<256x4096xf32>
    %add3A = vector.broadcast %broadcast_in_dim3A_13 : vector<256x1xf32> to vector<256x4096xf32>
    %add3A_15 = vector.broadcast %broadcast_in_dim3A : vector<1x4096xf32> to vector<256x4096xf32>
    %add3A_16 = arith.addf %add3A, %add3A_15 : vector<256x4096xf32>
    %mul3A_17 = arith.constant 2.000000e+00 : f32
    %mul3A_18 = vector.broadcast %mul3A_17 : f32 to vector<256x4096xf32>
    %mul3A_19 = arith.mulf %mul3A_18, %dot_general3A_14 : vector<256x4096xf32>
    %sub3A = arith.subf %add3A_16, %mul3A_19 : vector<256x4096xf32>
    %neg3A = arith.constant 0.000000e+00 : f32
    %neg3A_20 = vector.broadcast %neg3A : f32 to vector<256x4096xf32>
    %neg3A_21 = arith.subf %neg3A_20, %sub3A : vector<256x4096xf32>
    %iota3A = tpu.iota {dimensions = array<i32: 1>} : vector<256x4096xi32>
    %reduce_max3A = arith.constant dense<0xFF800000> : vector<256xf32>
    %reduce_max3A_22 = vector.multi_reduction <maximumf>, %neg3A_21, %reduce_max3A [1] : vector<256x4096xf32> to vector<256xf32>
    %broadcast_in_dim3A_23 = vector.shape_cast %reduce_max3A_22 : vector<256xf32> to vector<256x1xf32>
    %eq3A = vector.broadcast %broadcast_in_dim3A_23 : vector<256x1xf32> to vector<256x4096xf32>
    %eq3A_24 = arith.cmpf oeq, %neg3A_21, %eq3A : vector<256x4096xf32>
    %jit3A = arith.constant 2147483647 : i32
    %broadcast_in_dim3A_25 = vector.broadcast %jit3A : i32 to vector<256x4096xi32>
    %select_n3A = arith.select %eq3A_24, %iota3A, %broadcast_in_dim3A_25 : vector<256x4096xi1>, vector<256x4096xi32>
    %reduce_min3A = arith.constant dense<2147483647> : vector<256xi32>
    %reduce_min3A_26 = vector.multi_reduction <minsi>, %select_n3A, %reduce_min3A [1] : vector<256x4096xi32> to vector<256xi32>
    %broadcast_in_dim3A_27 = vector.shape_cast %reduce_min3A_26 : vector<256xi32> to vector<256x1xi32>
    %eq3A_28 = vector.broadcast %broadcast_in_dim3A_27 : vector<256x1xi32> to vector<256x4096xi32>
    %eq3A_29 = arith.cmpi eq, %iota3A, %eq3A_28 : vector<256x4096xi32>
    %jit3A_30 = arith.constant 0xFF800000 : f32
    %broadcast_in_dim3A_31 = vector.broadcast %jit3A_30 : f32 to vector<256x4096xf32>
    %select_n3A_32 = arith.select %eq3A_29, %broadcast_in_dim3A_31, %neg3A_21 : vector<256x4096xi1>, vector<256x4096xf32>
    %reduce_max3A_33 = arith.constant dense<0xFF800000> : vector<256xf32>
    %reduce_max3A_34 = vector.multi_reduction <maximumf>, %select_n3A_32, %reduce_max3A_33 [1] : vector<256x4096xf32> to vector<256xf32>
    %broadcast_in_dim3A_35 = vector.shape_cast %reduce_max3A_34 : vector<256xf32> to vector<256x1xf32>
    %eq3A_36 = vector.broadcast %broadcast_in_dim3A_35 : vector<256x1xf32> to vector<256x4096xf32>
    %eq3A_37 = arith.cmpf oeq, %select_n3A_32, %eq3A_36 : vector<256x4096xf32>
    %jit3A_38 = arith.constant 2147483647 : i32
    %broadcast_in_dim3A_39 = vector.broadcast %jit3A_38 : i32 to vector<256x4096xi32>
    %select_n3A_40 = arith.select %eq3A_37, %iota3A, %broadcast_in_dim3A_39 : vector<256x4096xi1>, vector<256x4096xi32>
    %reduce_min3A_41 = arith.constant dense<2147483647> : vector<256xi32>
    %reduce_min3A_42 = vector.multi_reduction <minsi>, %select_n3A_40, %reduce_min3A_41 [1] : vector<256x4096xi32> to vector<256xi32>
    %broadcast_in_dim3A_43 = vector.shape_cast %reduce_min3A_42 : vector<256xi32> to vector<256x1xi32>
    %eq3A_44 = vector.broadcast %broadcast_in_dim3A_43 : vector<256x1xi32> to vector<256x4096xi32>
    %eq3A_45 = arith.cmpi eq, %iota3A, %eq3A_44 : vector<256x4096xi32>
    %jit3A_46 = arith.constant 0xFF800000 : f32
    %broadcast_in_dim3A_47 = vector.broadcast %jit3A_46 : f32 to vector<256x4096xf32>
    %select_n3A_48 = arith.select %eq3A_45, %broadcast_in_dim3A_47, %select_n3A_32 : vector<256x4096xi1>, vector<256x4096xf32>
    %reduce_max3A_49 = arith.constant dense<0xFF800000> : vector<256xf32>
    %reduce_max3A_50 = vector.multi_reduction <maximumf>, %select_n3A_48, %reduce_max3A_49 [1] : vector<256x4096xf32> to vector<256xf32>
    %broadcast_in_dim3A_51 = vector.shape_cast %reduce_max3A_50 : vector<256xf32> to vector<256x1xf32>
    %eq3A_52 = vector.broadcast %broadcast_in_dim3A_51 : vector<256x1xf32> to vector<256x4096xf32>
    %eq3A_53 = arith.cmpf oeq, %select_n3A_48, %eq3A_52 : vector<256x4096xf32>
    %jit3A_54 = arith.constant 2147483647 : i32
    %broadcast_in_dim3A_55 = vector.broadcast %jit3A_54 : i32 to vector<256x4096xi32>
    %select_n3A_56 = arith.select %eq3A_53, %iota3A, %broadcast_in_dim3A_55 : vector<256x4096xi1>, vector<256x4096xi32>
    %reduce_min3A_57 = arith.constant dense<2147483647> : vector<256xi32>
    %reduce_min3A_58 = vector.multi_reduction <minsi>, %select_n3A_56, %reduce_min3A_57 [1] : vector<256x4096xi32> to vector<256xi32>
    %broadcast_in_dim3A_59 = vector.shape_cast %reduce_min3A_58 : vector<256xi32> to vector<256x1xi32>
    %eq3A_60 = vector.broadcast %broadcast_in_dim3A_59 : vector<256x1xi32> to vector<256x4096xi32>
    %eq3A_61 = arith.cmpi eq, %iota3A, %eq3A_60 : vector<256x4096xi32>
    %jit3A_62 = arith.constant 0xFF800000 : f32
    %broadcast_in_dim3A_63 = vector.broadcast %jit3A_62 : f32 to vector<256x4096xf32>
    %select_n3A_64 = arith.select %eq3A_61, %broadcast_in_dim3A_63, %select_n3A_48 : vector<256x4096xi1>, vector<256x4096xf32>
    %reduce_max3A_65 = arith.constant dense<0xFF800000> : vector<256xf32>
    %reduce_max3A_66 = vector.multi_reduction <maximumf>, %select_n3A_64, %reduce_max3A_65 [1] : vector<256x4096xf32> to vector<256xf32>
    %broadcast_in_dim3A_67 = vector.shape_cast %reduce_max3A_66 : vector<256xf32> to vector<256x1xf32>
    %eq3A_68 = vector.broadcast %broadcast_in_dim3A_67 : vector<256x1xf32> to vector<256x4096xf32>
    %eq3A_69 = arith.cmpf oeq, %select_n3A_64, %eq3A_68 : vector<256x4096xf32>
    %jit3A_70 = arith.constant 2147483647 : i32
    %broadcast_in_dim3A_71 = vector.broadcast %jit3A_70 : i32 to vector<256x4096xi32>
    %select_n3A_72 = arith.select %eq3A_69, %iota3A, %broadcast_in_dim3A_71 : vector<256x4096xi1>, vector<256x4096xi32>
    %reduce_min3A_73 = arith.constant dense<2147483647> : vector<256xi32>
    %reduce_min3A_74 = vector.multi_reduction <minsi>, %select_n3A_72, %reduce_min3A_73 [1] : vector<256x4096xi32> to vector<256xi32>
    %broadcast_in_dim3A_75 = vector.shape_cast %reduce_min3A_74 : vector<256xi32> to vector<256x1xi32>
    %eq3A_76 = vector.broadcast %broadcast_in_dim3A_75 : vector<256x1xi32> to vector<256x4096xi32>
    %eq3A_77 = arith.cmpi eq, %iota3A, %eq3A_76 : vector<256x4096xi32>
    %jit3A_78 = arith.constant 0xFF800000 : f32
    %broadcast_in_dim3A_79 = vector.broadcast %jit3A_78 : f32 to vector<256x4096xf32>
    %select_n3A_80 = arith.select %eq3A_77, %broadcast_in_dim3A_79, %select_n3A_64 : vector<256x4096xi1>, vector<256x4096xf32>
    %reduce_max3A_81 = arith.constant dense<0xFF800000> : vector<256xf32>
    %reduce_max3A_82 = vector.multi_reduction <maximumf>, %select_n3A_80, %reduce_max3A_81 [1] : vector<256x4096xf32> to vector<256xf32>
    %broadcast_in_dim3A_83 = vector.shape_cast %reduce_max3A_82 : vector<256xf32> to vector<256x1xf32>
    %eq3A_84 = vector.broadcast %broadcast_in_dim3A_83 : vector<256x1xf32> to vector<256x4096xf32>
    %eq3A_85 = arith.cmpf oeq, %select_n3A_80, %eq3A_84 : vector<256x4096xf32>
    %jit3A_86 = arith.constant 2147483647 : i32
    %broadcast_in_dim3A_87 = vector.broadcast %jit3A_86 : i32 to vector<256x4096xi32>
    %select_n3A_88 = arith.select %eq3A_85, %iota3A, %broadcast_in_dim3A_87 : vector<256x4096xi1>, vector<256x4096xi32>
    %reduce_min3A_89 = arith.constant dense<2147483647> : vector<256xi32>
    %reduce_min3A_90 = vector.multi_reduction <minsi>, %select_n3A_88, %reduce_min3A_89 [1] : vector<256x4096xi32> to vector<256xi32>
    %broadcast_in_dim3A_91 = vector.shape_cast %reduce_min3A_90 : vector<256xi32> to vector<256x1xi32>
    %eq3A_92 = vector.broadcast %broadcast_in_dim3A_91 : vector<256x1xi32> to vector<256x4096xi32>
    %eq3A_93 = arith.cmpi eq, %iota3A, %eq3A_92 : vector<256x4096xi32>
    %jit3A_94 = arith.constant 0xFF800000 : f32
    %broadcast_in_dim3A_95 = vector.broadcast %jit3A_94 : f32 to vector<256x4096xf32>
    %select_n3A_96 = arith.select %eq3A_93, %broadcast_in_dim3A_95, %select_n3A_80 : vector<256x4096xi1>, vector<256x4096xf32>
    %reduce_max3A_97 = arith.constant dense<0xFF800000> : vector<256xf32>
    %reduce_max3A_98 = vector.multi_reduction <maximumf>, %select_n3A_96, %reduce_max3A_97 [1] : vector<256x4096xf32> to vector<256xf32>
    %broadcast_in_dim3A_99 = vector.shape_cast %reduce_max3A_98 : vector<256xf32> to vector<256x1xf32>
    %eq3A_100 = vector.broadcast %broadcast_in_dim3A_99 : vector<256x1xf32> to vector<256x4096xf32>
    %eq3A_101 = arith.cmpf oeq, %select_n3A_96, %eq3A_100 : vector<256x4096xf32>
    %jit3A_102 = arith.constant 2147483647 : i32
    %broadcast_in_dim3A_103 = vector.broadcast %jit3A_102 : i32 to vector<256x4096xi32>
    %select_n3A_104 = arith.select %eq3A_101, %iota3A, %broadcast_in_dim3A_103 : vector<256x4096xi1>, vector<256x4096xi32>
    %reduce_min3A_105 = arith.constant dense<2147483647> : vector<256xi32>
    %reduce_min3A_106 = vector.multi_reduction <minsi>, %select_n3A_104, %reduce_min3A_105 [1] : vector<256x4096xi32> to vector<256xi32>
    %broadcast_in_dim3A_107 = vector.shape_cast %reduce_min3A_106 : vector<256xi32> to vector<256x1xi32>
    %eq3A_108 = vector.broadcast %broadcast_in_dim3A_107 : vector<256x1xi32> to vector<256x4096xi32>
    %eq3A_109 = arith.cmpi eq, %iota3A, %eq3A_108 : vector<256x4096xi32>
    %jit3A_110 = arith.constant 0xFF800000 : f32
    %broadcast_in_dim3A_111 = vector.broadcast %jit3A_110 : f32 to vector<256x4096xf32>
    %select_n3A_112 = arith.select %eq3A_109, %broadcast_in_dim3A_111, %select_n3A_96 : vector<256x4096xi1>, vector<256x4096xf32>
    %reduce_max3A_113 = arith.constant dense<0xFF800000> : vector<256xf32>
    %reduce_max3A_114 = vector.multi_reduction <maximumf>, %select_n3A_112, %reduce_max3A_113 [1] : vector<256x4096xf32> to vector<256xf32>
    %broadcast_in_dim3A_115 = vector.shape_cast %reduce_max3A_114 : vector<256xf32> to vector<256x1xf32>
    %eq3A_116 = vector.broadcast %broadcast_in_dim3A_115 : vector<256x1xf32> to vector<256x4096xf32>
    %eq3A_117 = arith.cmpf oeq, %select_n3A_112, %eq3A_116 : vector<256x4096xf32>
    %jit3A_118 = arith.constant 2147483647 : i32
    %broadcast_in_dim3A_119 = vector.broadcast %jit3A_118 : i32 to vector<256x4096xi32>
    %select_n3A_120 = arith.select %eq3A_117, %iota3A, %broadcast_in_dim3A_119 : vector<256x4096xi1>, vector<256x4096xi32>
    %reduce_min3A_121 = arith.constant dense<2147483647> : vector<256xi32>
    %reduce_min3A_122 = vector.multi_reduction <minsi>, %select_n3A_120, %reduce_min3A_121 [1] : vector<256x4096xi32> to vector<256xi32>
    %broadcast_in_dim3A_123 = vector.shape_cast %reduce_min3A_122 : vector<256xi32> to vector<256x1xi32>
    %eq3A_124 = vector.broadcast %broadcast_in_dim3A_123 : vector<256x1xi32> to vector<256x4096xi32>
    %eq3A_125 = arith.cmpi eq, %iota3A, %eq3A_124 : vector<256x4096xi32>
    %jit3A_126 = arith.constant 0xFF800000 : f32
    %broadcast_in_dim3A_127 = vector.broadcast %jit3A_126 : f32 to vector<256x4096xf32>
    %select_n3A_128 = arith.select %eq3A_125, %broadcast_in_dim3A_127, %select_n3A_112 : vector<256x4096xi1>, vector<256x4096xf32>
    %reduce_max3A_129 = arith.constant dense<0xFF800000> : vector<256xf32>
    %reduce_max3A_130 = vector.multi_reduction <maximumf>, %select_n3A_128, %reduce_max3A_129 [1] : vector<256x4096xf32> to vector<256xf32>
    %broadcast_in_dim3A_131 = vector.shape_cast %reduce_max3A_130 : vector<256xf32> to vector<256x1xf32>
    %eq3A_132 = vector.broadcast %broadcast_in_dim3A_131 : vector<256x1xf32> to vector<256x4096xf32>
    %eq3A_133 = arith.cmpf oeq, %select_n3A_128, %eq3A_132 : vector<256x4096xf32>
    %jit3A_134 = arith.constant 2147483647 : i32
    %broadcast_in_dim3A_135 = vector.broadcast %jit3A_134 : i32 to vector<256x4096xi32>
    %select_n3A_136 = arith.select %eq3A_133, %iota3A, %broadcast_in_dim3A_135 : vector<256x4096xi1>, vector<256x4096xi32>
    %reduce_min3A_137 = arith.constant dense<2147483647> : vector<256xi32>
    %reduce_min3A_138 = vector.multi_reduction <minsi>, %select_n3A_136, %reduce_min3A_137 [1] : vector<256x4096xi32> to vector<256xi32>
    %broadcast_in_dim3A_139 = vector.shape_cast %reduce_min3A_138 : vector<256xi32> to vector<256x1xi32>
    %eq3A_140 = vector.broadcast %broadcast_in_dim3A_139 : vector<256x1xi32> to vector<256x4096xi32>
    %eq3A_141 = arith.cmpi eq, %iota3A, %eq3A_140 : vector<256x4096xi32>
    %jit3A_142 = arith.constant 0xFF800000 : f32
    %broadcast_in_dim3A_143 = vector.broadcast %jit3A_142 : f32 to vector<256x4096xf32>
    %select_n3A_144 = arith.select %eq3A_141, %broadcast_in_dim3A_143, %select_n3A_128 : vector<256x4096xi1>, vector<256x4096xf32>
    %reduce_max3A_145 = arith.constant dense<0xFF800000> : vector<256xf32>
    %reduce_max3A_146 = vector.multi_reduction <maximumf>, %select_n3A_144, %reduce_max3A_145 [1] : vector<256x4096xf32> to vector<256xf32>
    %broadcast_in_dim3A_147 = vector.shape_cast %reduce_max3A_146 : vector<256xf32> to vector<256x1xf32>
    %eq3A_148 = vector.broadcast %broadcast_in_dim3A_147 : vector<256x1xf32> to vector<256x4096xf32>
    %eq3A_149 = arith.cmpf oeq, %select_n3A_144, %eq3A_148 : vector<256x4096xf32>
    %jit3A_150 = arith.constant 2147483647 : i32
    %broadcast_in_dim3A_151 = vector.broadcast %jit3A_150 : i32 to vector<256x4096xi32>
    %select_n3A_152 = arith.select %eq3A_149, %iota3A, %broadcast_in_dim3A_151 : vector<256x4096xi1>, vector<256x4096xi32>
    %reduce_min3A_153 = arith.constant dense<2147483647> : vector<256xi32>
    %reduce_min3A_154 = vector.multi_reduction <minsi>, %select_n3A_152, %reduce_min3A_153 [1] : vector<256x4096xi32> to vector<256xi32>
    %broadcast_in_dim3A_155 = vector.shape_cast %reduce_min3A_154 : vector<256xi32> to vector<256x1xi32>
    %eq3A_156 = vector.broadcast %broadcast_in_dim3A_155 : vector<256x1xi32> to vector<256x4096xi32>
    %eq3A_157 = arith.cmpi eq, %iota3A, %eq3A_156 : vector<256x4096xi32>
    %jit3A_158 = arith.constant 0xFF800000 : f32
    %broadcast_in_dim3A_159 = vector.broadcast %jit3A_158 : f32 to vector<256x4096xf32>
    %select_n3A_160 = arith.select %eq3A_157, %broadcast_in_dim3A_159, %select_n3A_144 : vector<256x4096xi1>, vector<256x4096xf32>
    %reduce_max3A_161 = arith.constant dense<0xFF800000> : vector<256xf32>
    %reduce_max3A_162 = vector.multi_reduction <maximumf>, %select_n3A_160, %reduce_max3A_161 [1] : vector<256x4096xf32> to vector<256xf32>
    %broadcast_in_dim3A_163 = vector.shape_cast %reduce_max3A_162 : vector<256xf32> to vector<256x1xf32>
    %eq3A_164 = vector.broadcast %broadcast_in_dim3A_163 : vector<256x1xf32> to vector<256x4096xf32>
    %eq3A_165 = arith.cmpf oeq, %select_n3A_160, %eq3A_164 : vector<256x4096xf32>
    %jit3A_166 = arith.constant 2147483647 : i32
    %broadcast_in_dim3A_167 = vector.broadcast %jit3A_166 : i32 to vector<256x4096xi32>
    %select_n3A_168 = arith.select %eq3A_165, %iota3A, %broadcast_in_dim3A_167 : vector<256x4096xi1>, vector<256x4096xi32>
    %reduce_min3A_169 = arith.constant dense<2147483647> : vector<256xi32>
    %reduce_min3A_170 = vector.multi_reduction <minsi>, %select_n3A_168, %reduce_min3A_169 [1] : vector<256x4096xi32> to vector<256xi32>
    %broadcast_in_dim3A_171 = vector.shape_cast %reduce_min3A_170 : vector<256xi32> to vector<256x1xi32>
    %eq3A_172 = vector.broadcast %broadcast_in_dim3A_171 : vector<256x1xi32> to vector<256x4096xi32>
    %eq3A_173 = arith.cmpi eq, %iota3A, %eq3A_172 : vector<256x4096xi32>
    %jit3A_174 = arith.constant 0xFF800000 : f32
    %broadcast_in_dim3A_175 = vector.broadcast %jit3A_174 : f32 to vector<256x4096xf32>
    %select_n3A_176 = arith.select %eq3A_173, %broadcast_in_dim3A_175, %select_n3A_160 : vector<256x4096xi1>, vector<256x4096xf32>
    %reduce_max3A_177 = arith.constant dense<0xFF800000> : vector<256xf32>
    %reduce_max3A_178 = vector.multi_reduction <maximumf>, %select_n3A_176, %reduce_max3A_177 [1] : vector<256x4096xf32> to vector<256xf32>
    %broadcast_in_dim3A_179 = vector.shape_cast %reduce_max3A_178 : vector<256xf32> to vector<256x1xf32>
    %eq3A_180 = vector.broadcast %broadcast_in_dim3A_179 : vector<256x1xf32> to vector<256x4096xf32>
    %eq3A_181 = arith.cmpf oeq, %select_n3A_176, %eq3A_180 : vector<256x4096xf32>
    %jit3A_182 = arith.constant 2147483647 : i32
    %broadcast_in_dim3A_183 = vector.broadcast %jit3A_182 : i32 to vector<256x4096xi32>
    %select_n3A_184 = arith.select %eq3A_181, %iota3A, %broadcast_in_dim3A_183 : vector<256x4096xi1>, vector<256x4096xi32>
    %reduce_min3A_185 = arith.constant dense<2147483647> : vector<256xi32>
    %reduce_min3A_186 = vector.multi_reduction <minsi>, %select_n3A_184, %reduce_min3A_185 [1] : vector<256x4096xi32> to vector<256xi32>
    %broadcast_in_dim3A_187 = vector.shape_cast %reduce_min3A_186 : vector<256xi32> to vector<256x1xi32>
    %eq3A_188 = vector.broadcast %broadcast_in_dim3A_187 : vector<256x1xi32> to vector<256x4096xi32>
    %eq3A_189 = arith.cmpi eq, %iota3A, %eq3A_188 : vector<256x4096xi32>
    %jit3A_190 = arith.constant 0xFF800000 : f32
    %broadcast_in_dim3A_191 = vector.broadcast %jit3A_190 : f32 to vector<256x4096xf32>
    %select_n3A_192 = arith.select %eq3A_189, %broadcast_in_dim3A_191, %select_n3A_176 : vector<256x4096xi1>, vector<256x4096xf32>
    %reduce_max3A_193 = arith.constant dense<0xFF800000> : vector<256xf32>
    %reduce_max3A_194 = vector.multi_reduction <maximumf>, %select_n3A_192, %reduce_max3A_193 [1] : vector<256x4096xf32> to vector<256xf32>
    %broadcast_in_dim3A_195 = vector.shape_cast %reduce_max3A_194 : vector<256xf32> to vector<256x1xf32>
    %eq3A_196 = vector.broadcast %broadcast_in_dim3A_195 : vector<256x1xf32> to vector<256x4096xf32>
    %eq3A_197 = arith.cmpf oeq, %select_n3A_192, %eq3A_196 : vector<256x4096xf32>
    %jit3A_198 = arith.constant 2147483647 : i32
    %broadcast_in_dim3A_199 = vector.broadcast %jit3A_198 : i32 to vector<256x4096xi32>
    %select_n3A_200 = arith.select %eq3A_197, %iota3A, %broadcast_in_dim3A_199 : vector<256x4096xi1>, vector<256x4096xi32>
    %reduce_min3A_201 = arith.constant dense<2147483647> : vector<256xi32>
    %reduce_min3A_202 = vector.multi_reduction <minsi>, %select_n3A_200, %reduce_min3A_201 [1] : vector<256x4096xi32> to vector<256xi32>
    %broadcast_in_dim3A_203 = vector.shape_cast %reduce_min3A_202 : vector<256xi32> to vector<256x1xi32>
    %eq3A_204 = vector.broadcast %broadcast_in_dim3A_203 : vector<256x1xi32> to vector<256x4096xi32>
    %eq3A_205 = arith.cmpi eq, %iota3A, %eq3A_204 : vector<256x4096xi32>
    %jit3A_206 = arith.constant 0xFF800000 : f32
    %broadcast_in_dim3A_207 = vector.broadcast %jit3A_206 : f32 to vector<256x4096xf32>
    %select_n3A_208 = arith.select %eq3A_205, %broadcast_in_dim3A_207, %select_n3A_192 : vector<256x4096xi1>, vector<256x4096xf32>
    %reduce_max3A_209 = arith.constant dense<0xFF800000> : vector<256xf32>
    %reduce_max3A_210 = vector.multi_reduction <maximumf>, %select_n3A_208, %reduce_max3A_209 [1] : vector<256x4096xf32> to vector<256xf32>
    %broadcast_in_dim3A_211 = vector.shape_cast %reduce_max3A_210 : vector<256xf32> to vector<256x1xf32>
    %eq3A_212 = vector.broadcast %broadcast_in_dim3A_211 : vector<256x1xf32> to vector<256x4096xf32>
    %eq3A_213 = arith.cmpf oeq, %select_n3A_208, %eq3A_212 : vector<256x4096xf32>
    %jit3A_214 = arith.constant 2147483647 : i32
    %broadcast_in_dim3A_215 = vector.broadcast %jit3A_214 : i32 to vector<256x4096xi32>
    %select_n3A_216 = arith.select %eq3A_213, %iota3A, %broadcast_in_dim3A_215 : vector<256x4096xi1>, vector<256x4096xi32>
    %reduce_min3A_217 = arith.constant dense<2147483647> : vector<256xi32>
    %reduce_min3A_218 = vector.multi_reduction <minsi>, %select_n3A_216, %reduce_min3A_217 [1] : vector<256x4096xi32> to vector<256xi32>
    %broadcast_in_dim3A_219 = vector.shape_cast %reduce_min3A_218 : vector<256xi32> to vector<256x1xi32>
    %eq3A_220 = vector.broadcast %broadcast_in_dim3A_219 : vector<256x1xi32> to vector<256x4096xi32>
    %eq3A_221 = arith.cmpi eq, %iota3A, %eq3A_220 : vector<256x4096xi32>
    %jit3A_222 = arith.constant 0xFF800000 : f32
    %broadcast_in_dim3A_223 = vector.broadcast %jit3A_222 : f32 to vector<256x4096xf32>
    %select_n3A_224 = arith.select %eq3A_221, %broadcast_in_dim3A_223, %select_n3A_208 : vector<256x4096xi1>, vector<256x4096xf32>
    %reduce_max3A_225 = arith.constant dense<0xFF800000> : vector<256xf32>
    %reduce_max3A_226 = vector.multi_reduction <maximumf>, %select_n3A_224, %reduce_max3A_225 [1] : vector<256x4096xf32> to vector<256xf32>
    %broadcast_in_dim3A_227 = vector.shape_cast %reduce_max3A_226 : vector<256xf32> to vector<256x1xf32>
    %eq3A_228 = vector.broadcast %broadcast_in_dim3A_227 : vector<256x1xf32> to vector<256x4096xf32>
    %eq3A_229 = arith.cmpf oeq, %select_n3A_224, %eq3A_228 : vector<256x4096xf32>
    %jit3A_230 = arith.constant 2147483647 : i32
    %broadcast_in_dim3A_231 = vector.broadcast %jit3A_230 : i32 to vector<256x4096xi32>
    %select_n3A_232 = arith.select %eq3A_229, %iota3A, %broadcast_in_dim3A_231 : vector<256x4096xi1>, vector<256x4096xi32>
    %reduce_min3A_233 = arith.constant dense<2147483647> : vector<256xi32>
    %reduce_min3A_234 = vector.multi_reduction <minsi>, %select_n3A_232, %reduce_min3A_233 [1] : vector<256x4096xi32> to vector<256xi32>
    %broadcast_in_dim3A_235 = vector.shape_cast %reduce_min3A_234 : vector<256xi32> to vector<256x1xi32>
    %eq3A_236 = vector.broadcast %broadcast_in_dim3A_235 : vector<256x1xi32> to vector<256x4096xi32>
    %eq3A_237 = arith.cmpi eq, %iota3A, %eq3A_236 : vector<256x4096xi32>
    %jit3A_238 = arith.constant 0xFF800000 : f32
    %broadcast_in_dim3A_239 = vector.broadcast %jit3A_238 : f32 to vector<256x4096xf32>
    %select_n3A_240 = arith.select %eq3A_237, %broadcast_in_dim3A_239, %select_n3A_224 : vector<256x4096xi1>, vector<256x4096xf32>
    %reduce_max3A_241 = arith.constant dense<0xFF800000> : vector<256xf32>
    %reduce_max3A_242 = vector.multi_reduction <maximumf>, %select_n3A_240, %reduce_max3A_241 [1] : vector<256x4096xf32> to vector<256xf32>
    %broadcast_in_dim3A_243 = vector.shape_cast %reduce_max3A_242 : vector<256xf32> to vector<256x1xf32>
    %eq3A_244 = vector.broadcast %broadcast_in_dim3A_243 : vector<256x1xf32> to vector<256x4096xf32>
    %eq3A_245 = arith.cmpf oeq, %select_n3A_240, %eq3A_244 : vector<256x4096xf32>
    %jit3A_246 = arith.constant 2147483647 : i32
    %broadcast_in_dim3A_247 = vector.broadcast %jit3A_246 : i32 to vector<256x4096xi32>
    %select_n3A_248 = arith.select %eq3A_245, %iota3A, %broadcast_in_dim3A_247 : vector<256x4096xi1>, vector<256x4096xi32>
    %reduce_min3A_249 = arith.constant dense<2147483647> : vector<256xi32>
    %reduce_min3A_250 = vector.multi_reduction <minsi>, %select_n3A_248, %reduce_min3A_249 [1] : vector<256x4096xi32> to vector<256xi32>
    %broadcast_in_dim3A_251 = vector.shape_cast %reduce_min3A_250 : vector<256xi32> to vector<256x1xi32>
    %eq3A_252 = vector.broadcast %broadcast_in_dim3A_251 : vector<256x1xi32> to vector<256x4096xi32>
    %eq3A_253 = arith.cmpi eq, %iota3A, %eq3A_252 : vector<256x4096xi32>
    %jit3A_254 = arith.constant 0xFF800000 : f32
    %broadcast_in_dim3A_255 = vector.broadcast %jit3A_254 : f32 to vector<256x4096xf32>
    %select_n3A_256 = arith.select %eq3A_253, %broadcast_in_dim3A_255, %select_n3A_240 : vector<256x4096xi1>, vector<256x4096xf32>
    %reduce_max3A_257 = arith.constant dense<0xFF800000> : vector<256xf32>
    %reduce_max3A_258 = vector.multi_reduction <maximumf>, %select_n3A_256, %reduce_max3A_257 [1] : vector<256x4096xf32> to vector<256xf32>
    %broadcast_in_dim3A_259 = vector.shape_cast %reduce_max3A_258 : vector<256xf32> to vector<256x1xf32>
    %eq3A_260 = vector.broadcast %broadcast_in_dim3A_259 : vector<256x1xf32> to vector<256x4096xf32>
    %eq3A_261 = arith.cmpf oeq, %select_n3A_256, %eq3A_260 : vector<256x4096xf32>
    %jit3A_262 = arith.constant 2147483647 : i32
    %broadcast_in_dim3A_263 = vector.broadcast %jit3A_262 : i32 to vector<256x4096xi32>
    %select_n3A_264 = arith.select %eq3A_261, %iota3A, %broadcast_in_dim3A_263 : vector<256x4096xi1>, vector<256x4096xi32>
    %reduce_min3A_265 = arith.constant dense<2147483647> : vector<256xi32>
    %reduce_min3A_266 = vector.multi_reduction <minsi>, %select_n3A_264, %reduce_min3A_265 [1] : vector<256x4096xi32> to vector<256xi32>
    %broadcast_in_dim3A_267 = vector.shape_cast %reduce_min3A_266 : vector<256xi32> to vector<256x1xi32>
    %concatenate3A = tpu.concatenate %broadcast_in_dim3A_27, %broadcast_in_dim3A_43, %broadcast_in_dim3A_59, %broadcast_in_dim3A_75, %broadcast_in_dim3A_91, %broadcast_in_dim3A_107, %broadcast_in_dim3A_123, %broadcast_in_dim3A_139, %broadcast_in_dim3A_155, %broadcast_in_dim3A_171, %broadcast_in_dim3A_187, %broadcast_in_dim3A_203, %broadcast_in_dim3A_219, %broadcast_in_dim3A_235, %broadcast_in_dim3A_251, %broadcast_in_dim3A_267 in 1 : vector<256x1xi32>, vector<256x1xi32>, vector<256x1xi32>, vector<256x1xi32>, vector<256x1xi32>, vector<256x1xi32>, vector<256x1xi32>, vector<256x1xi32>, vector<256x1xi32>, vector<256x1xi32>, vector<256x1xi32>, vector<256x1xi32>, vector<256x1xi32>, vector<256x1xi32>, vector<256x1xi32>, vector<256x1xi32> -> vector<256x16xi32>
    %mul3A_268 = arith.constant 4096 : i32
    %mul3A_269 = arith.muli %arg0, %mul3A_268 : i32
    %add3A_270 = vector.broadcast %mul3A_269 : i32 to vector<256x16xi32>
    %add3A_271 = arith.addi %concatenate3A, %add3A_270 : vector<256x16xi32>
    %swap3A = arith.constant 0 : index
    %swap3A_272 = arith.constant 0 : index
    %swap3A_273 = arith.constant 0 : index
    %swap3A_274 = vector.load %arg12[%swap3A, %swap3A_272, %swap3A_273] : memref<1x256x16xi32, #tpu.memory_space<vmem>>, vector<1x256x16xi32>
    %swap3A_275 = vector.shape_cast %swap3A_274 : vector<1x256x16xi32> to vector<256x16xi32>
    %swap3A_276 = vector.shape_cast %add3A_271 : vector<256x16xi32> to vector<1x256x16xi32>
    tpu.vector_store %arg12[%swap3A, %swap3A_272, %swap3A_273], %swap3A_276 {strides = array<i32>} : memref<1x256x16xi32, #tpu.memory_space<vmem>>, vector<1x256x16xi32>,
    %get3A_277 = arith.constant 0 : index
    %get3A_278 = arith.constant 0 : index
    %get3A_279 = arith.constant 0 : index
    %get3A_280 = vector.load %arg4[%get3A_277, %get3A_278, %get3A_279] : memref<1x32x256xf32, #tpu.memory_space<vmem>>, vector<1x32x256xf32>
    %get3A_281 = vector.shape_cast %get3A_280 : vector<1x32x256xf32> to vector<32x256xf32>
    %get3A_282 = arith.constant 0 : index
    %get3A_283 = arith.constant 0 : index
    %get3A_284 = vector.load %arg5[%get3A_282, %get3A_283] : memref<32x32xf32, #tpu.memory_space<vmem>>, vector<32x32xf32>
    %dot_general3A_285 = arith.constant dense<0.000000e+00> : vector<256x32xf32>
    %dot_general3A_286 = tpu.matmul %get3A_281, %get3A_284, %dot_general3A_285 {dimension_numbers = #tpu.dot_dimension_numbers<[0], [0], [1], [1], [0, 1, 1, 1], [], []>, transpose_lhs_hint = false} : vector<32x256xf32>, vector<32x32xf32>, vector<256x32xf32> -> vector<256x32xf32>
    %get3A_287 = arith.constant 0 : index
    %get3A_288 = arith.constant 0 : index
    %get3A_289 = vector.load %arg6[%get3A_287, %get3A_288] : memref<1x32xf32, #tpu.memory_space<vmem>>, vector<1x32xf32>
    %add3A_290 = vector.broadcast %get3A_289 : vector<1x32xf32> to vector<256x32xf32>
    %add3A_291 = arith.addf %dot_general3A_286, %add3A_290 : vector<256x32xf32>
    %get3A_292 = arith.constant 0 : index
    %get3A_293 = arith.constant 0 : index
    %get3A_294 = vector.load %arg7[%get3A_292, %get3A_293] : memref<32x32xf32, #tpu.memory_space<vmem>>, vector<32x32xf32>
    %dot_general3A_295 = arith.constant dense<0.000000e+00> : vector<256x32xf32>
    %dot_general3A_296 = tpu.matmul %get3A_281, %get3A_294, %dot_general3A_295 {dimension_numbers = #tpu.dot_dimension_numbers<[0], [0], [1], [1], [0, 1, 1, 1], [], []>, transpose_lhs_hint = false} : vector<32x256xf32>, vector<32x32xf32>, vector<256x32xf32> -> vector<256x32xf32>
    %get3A_297 = arith.constant 0 : index
    %get3A_298 = arith.constant 0 : index
    %get3A_299 = vector.load %arg8[%get3A_297, %get3A_298] : memref<1x32xf32, #tpu.memory_space<vmem>>, vector<1x32xf32>
    %add3A_300 = vector.broadcast %get3A_299 : vector<1x32xf32> to vector<256x32xf32>
    %add3A_301 = arith.addf %dot_general3A_296, %add3A_300 : vector<256x32xf32>
    %get3A_302 = arith.constant 0 : index
    %get3A_303 = arith.constant 0 : index
    %get3A_304 = vector.load %arg9[%get3A_302, %get3A_303] : memref<32x32xf32, #tpu.memory_space<vmem>>, vector<32x32xf32>
    %dot_general3A_305 = arith.constant dense<0.000000e+00> : vector<256x32xf32>
    %dot_general3A_306 = tpu.matmul %get3A_281, %get3A_304, %dot_general3A_305 {dimension_numbers = #tpu.dot_dimension_numbers<[0], [0], [1], [1], [0, 1, 1, 1], [], []>, transpose_lhs_hint = false} : vector<32x256xf32>, vector<32x32xf32>, vector<256x32xf32> -> vector<256x32xf32>
    %get3A_307 = arith.constant 0 : index
    %get3A_308 = arith.constant 0 : index
    %get3A_309 = vector.load %arg10[%get3A_307, %get3A_308] : memref<1x32xf32, #tpu.memory_space<vmem>>, vector<1x32xf32>
    %add3A_310 = vector.broadcast %get3A_309 : vector<1x32xf32> to vector<256x32xf32>
    %add3A_311 = arith.addf %dot_general3A_306, %add3A_310 : vector<256x32xf32>
    %iota3A_312 = tpu.iota {dimensions = array<i32: 0>} : vector<8x3xi32>
    %iota3A_313 = tpu.iota {dimensions = array<i32: 1>} : vector<8x3xi32>
    %add3A_314 = arith.constant 0 : i32
    %add3A_315 = vector.broadcast %add3A_314 : i32 to vector<8x3xi32>
    %add3A_316 = arith.addi %iota3A_312, %add3A_315 : vector<8x3xi32>
    %eq3A_317 = arith.cmpi eq, %add3A_316, %iota3A_313 : vector<8x3xi32>
    %convert_element_type3A = arith.extui %eq3A_317 : vector<8x3xi1> to vector<8x3xi32>
    %convert_element_type3A_318 = arith.sitofp %convert_element_type3A : vector<8x3xi32> to vector<8x3xf32>
    %dot_general3A_319 = arith.constant dense<0.000000e+00> : vector<256x3xf32>
    %dot_general3A_320 = tpu.matmul %get3A_8, %convert_element_type3A_318, %dot_general3A_319 {dimension_numbers = #tpu.dot_dimension_numbers<[0], [0], [1], [1], [0, 1, 1, 1], [], []>, transpose_lhs_hint = false} : vector<8x256xf32>, vector<8x3xf32>, vector<256x3xf32> -> vector<256x3xf32>
    %broadcast_in_dim3A_321 = arith.constant 0.000000e+00 : f32
    %broadcast_in_dim3A_322 = vector.broadcast %broadcast_in_dim3A_321 : f32 to vector<256x29xf32>
    %concatenate3A_323 = tpu.concatenate %add3A_301, %add3A_311, %add3A_291, %dot_general3A_320, %broadcast_in_dim3A_322 in 1 : vector<256x32xf32>, vector<256x32xf32>, vector<256x32xf32>, vector<256x3xf32>, vector<256x29xf32> -> vector<256x128xf32>
    %swap3A_324 = arith.constant 0 : index
    %swap3A_325 = arith.constant 0 : index
    %swap3A_326 = arith.constant 0 : index
    %swap3A_327 = vector.load %arg11[%swap3A_324, %swap3A_325, %swap3A_326] : memref<1x256x128xf32, #tpu.memory_space<vmem>>, vector<1x256x128xf32>
    %swap3A_328 = vector.shape_cast %swap3A_327 : vector<1x256x128xf32> to vector<256x128xf32>
    %swap3A_329 = vector.shape_cast %concatenate3A_323 : vector<256x128xf32> to vector<1x256x128xf32>
    tpu.vector_store %arg11[%swap3A_324, %swap3A_325, %swap3A_326], %swap3A_329 {strides = array<i32>} : memref<1x256x128xf32, #tpu.memory_space<vmem>>, vector<1x256x128xf32>,
    return
  }
  func.func @transform_0(%arg0: i32, %arg1: i32) -> (i32, i32, i32) {
    %c0_i32 = arith.constant 0 : i32
    %c0_i32_0 = arith.constant 0 : i32
    %c0_i32_1 = arith.constant 0 : i32
    return %arg0, %c0_i32, %c0_i32_0 : i32, i32, i32
  }
  func.func @transform_1(%arg0: i32, %arg1: i32) -> (i32, i32, i32) {
    %c0_i32 = arith.constant 0 : i32
    %c0_i32_0 = arith.constant 0 : i32
    return %arg0, %c0_i32, %arg1 : i32, i32, i32
  }
  func.func @transform_2(%arg0: i32, %arg1: i32) -> (i32, i32, i32) {
    %c0_i32 = arith.constant 0 : i32
    %c0_i32_0 = arith.constant 0 : i32
    return %arg0, %c0_i32, %arg1 : i32, i32, i32
  }
  func.func @transform_3(%arg0: i32, %arg1: i32) -> (i32, i32) {
    %c0_i32 = arith.constant 0 : i32
    %c0_i32_0 = arith.constant 0 : i32
    %c0_i32_1 = arith.constant 0 : i32
    return %c0_i32, %c0_i32_0 : i32, i32
  }
  func.func @transform_4(%arg0: i32, %arg1: i32) -> (i32, i32) {
    %c0_i32 = arith.constant 0 : i32
    %c0_i32_0 = arith.constant 0 : i32
    %c0_i32_1 = arith.constant 0 : i32
    return %c0_i32, %c0_i32_0 : i32, i32
  }
  func.func @transform_5(%arg0: i32, %arg1: i32) -> (i32, i32) {
    %c0_i32 = arith.constant 0 : i32
    %c0_i32_0 = arith.constant 0 : i32
    %c0_i32_1 = arith.constant 0 : i32
    return %c0_i32, %c0_i32_0 : i32, i32
  }
  func.func @transform_6(%arg0: i32, %arg1: i32) -> (i32, i32) {
    %c0_i32 = arith.constant 0 : i32
    %c0_i32_0 = arith.constant 0 : i32
    %c0_i32_1 = arith.constant 0 : i32
    return %c0_i32, %c0_i32_0 : i32, i32
  }
  func.func @transform_7(%arg0: i32, %arg1: i32) -> (i32, i32) {
    %c0_i32 = arith.constant 0 : i32
    %c0_i32_0 = arith.constant 0 : i32
    %c0_i32_1 = arith.constant 0 : i32
    return %c0_i32, %c0_i32_0 : i32, i32
  }
  func.func @transform_8(%arg0: i32, %arg1: i32) -> (i32, i32) {
    %c0_i32 = arith.constant 0 : i32
    %c0_i32_0 = arith.constant 0 : i32
    %c0_i32_1 = arith.constant 0 : i32
    return %c0_i32, %c0_i32_0 : i32, i32
  }
  func.func @transform_9(%arg0: i32, %arg1: i32) -> (i32, i32, i32) {
    %c0_i32 = arith.constant 0 : i32
    %c0_i32_0 = arith.constant 0 : i32
    return %arg0, %arg1, %c0_i32 : i32, i32, i32
  }
  func.func @transform_10(%arg0: i32, %arg1: i32) -> (i32, i32, i32) {
    %c0_i32 = arith.constant 0 : i32
    %c0_i32_0 = arith.constant 0 : i32
    return %arg0, %arg1, %c0_i32 : i32, i32, i32
  }
}

module attributes {stable_mosaic.version = 14 : i64} {
  func.func @body(%arg0: i32, %arg1: i32, %arg2: memref<1x16x512x128xf32, #tpu.memory_space<vmem>>, %arg3: memref<1x512x128xf32, #tpu.memory_space<vmem>>, %arg4: memref<8x8xf32, #tpu.memory_space<vmem>>, %arg5: memref<1x8xf32, #tpu.memory_space<vmem>>, %arg6: memref<1x8xf32, #tpu.memory_space<vmem>>, %arg7: memref<8x32xf32, #tpu.memory_space<vmem>>, %arg8: memref<1x32xf32, #tpu.memory_space<vmem>>, %arg9: memref<1x32xf32, #tpu.memory_space<vmem>>, %arg10: memref<1x32xf32, #tpu.memory_space<vmem>>, %arg11: memref<32x32xf32, #tpu.memory_space<vmem>>, %arg12: memref<1x32xf32, #tpu.memory_space<vmem>>, %arg13: memref<1x32xf32, #tpu.memory_space<vmem>>, %arg14: memref<32x32xf32, #tpu.memory_space<vmem>>, %arg15: memref<1x32xf32, #tpu.memory_space<vmem>>, %arg16: memref<1x512x32xf32, #tpu.memory_space<vmem>>) attributes {dimension_semantics = [#tpu.dimension_semantics<arbitrary>, #tpu.dimension_semantics<arbitrary>], iteration_bounds = array<i64: 4, 8>, scalar_prefetch = 0 : i64, scratch_operands = 0 : i64, tpu.core_type = #tpu.core_type<tc>, window_params = [{transform_indices = @transform_0, window_bounds = array<i64: 1, 16, 512, 128>}, {transform_indices = @transform_1, window_bounds = array<i64: 1, 512, 128>}, {pipeline_mode = #tpu.pipeline_mode<synchronous>, transform_indices = @transform_2, window_bounds = array<i64: 8, 8>}, {pipeline_mode = #tpu.pipeline_mode<synchronous>, transform_indices = @transform_3, window_bounds = array<i64: 1, 8>}, {pipeline_mode = #tpu.pipeline_mode<synchronous>, transform_indices = @transform_4, window_bounds = array<i64: 1, 8>}, {pipeline_mode = #tpu.pipeline_mode<synchronous>, transform_indices = @transform_5, window_bounds = array<i64: 8, 32>}, {pipeline_mode = #tpu.pipeline_mode<synchronous>, transform_indices = @transform_6, window_bounds = array<i64: 1, 32>}, {pipeline_mode = #tpu.pipeline_mode<synchronous>, transform_indices = @transform_7, window_bounds = array<i64: 1, 32>}, {pipeline_mode = #tpu.pipeline_mode<synchronous>, transform_indices = @transform_8, window_bounds = array<i64: 1, 32>}, {pipeline_mode = #tpu.pipeline_mode<synchronous>, transform_indices = @transform_9, window_bounds = array<i64: 32, 32>}, {pipeline_mode = #tpu.pipeline_mode<synchronous>, transform_indices = @transform_10, window_bounds = array<i64: 1, 32>}, {pipeline_mode = #tpu.pipeline_mode<synchronous>, transform_indices = @transform_11, window_bounds = array<i64: 1, 32>}, {pipeline_mode = #tpu.pipeline_mode<synchronous>, transform_indices = @transform_12, window_bounds = array<i64: 32, 32>}, {pipeline_mode = #tpu.pipeline_mode<synchronous>, transform_indices = @transform_13, window_bounds = array<i64: 1, 32>}, {transform_indices = @transform_14, window_bounds = array<i64: 1, 512, 32>}]} {
    %get3A = arith.constant 0 : index
    %get3A_0 = arith.constant 0 : index
    %get3A_1 = arith.constant 0 : index
    %get3A_2 = arith.constant 0 : index
    %get3A_3 = vector.load %arg2[%get3A, %get3A_0, %get3A_1, %get3A_2] : memref<1x16x512x128xf32, #tpu.memory_space<vmem>>, vector<1x16x512x128xf32>
    %get3A_4 = vector.shape_cast %get3A_3 : vector<1x16x512x128xf32> to vector<16x512x128xf32>
    %get3A_5 = arith.constant 0 : index
    %get3A_6 = arith.constant 0 : index
    %get3A_7 = arith.constant 0 : index
    %get3A_8 = vector.load %arg3[%get3A_5, %get3A_6, %get3A_7] : memref<1x512x128xf32, #tpu.memory_space<vmem>>, vector<1x512x128xf32>
    %get3A_9 = vector.shape_cast %get3A_8 : vector<1x512x128xf32> to vector<512x128xf32>
    %slice3A = vector.extract_strided_slice %get3A_4 {offsets = [0, 0, 0], sizes = [16, 512, 32], strides = [1, 1, 1]} : vector<16x512x128xf32> to vector<16x512x32xf32>
    %slice3A_10 = vector.extract_strided_slice %get3A_4 {offsets = [0, 0, 32], sizes = [16, 512, 32], strides = [1, 1, 1]} : vector<16x512x128xf32> to vector<16x512x32xf32>
    %slice3A_11 = vector.extract_strided_slice %get3A_4 {offsets = [0, 0, 96], sizes = [16, 512, 8], strides = [1, 1, 1]} : vector<16x512x128xf32> to vector<16x512x8xf32>
    %slice3A_12 = vector.extract_strided_slice %get3A_9 {offsets = [0, 64], sizes = [512, 32], strides = [1, 1]} : vector<512x128xf32> to vector<512x32xf32>
    %slice3A_13 = vector.extract_strided_slice %get3A_9 {offsets = [0, 96], sizes = [512, 8], strides = [1, 1]} : vector<512x128xf32> to vector<512x8xf32>
    %broadcast_in_dim3A = vector.shape_cast %slice3A_13 : vector<512x8xf32> to vector<1x512x8xf32>
    %sub3A = vector.broadcast %broadcast_in_dim3A : vector<1x512x8xf32> to vector<16x512x8xf32>
    %sub3A_14 = arith.subf %slice3A_11, %sub3A : vector<16x512x8xf32>
    %reshape3A = vector.shape_cast %sub3A_14 : vector<16x512x8xf32> to vector<8192x8xf32>
    %get3A_15 = arith.constant 0 : index
    %get3A_16 = arith.constant 0 : index
    %get3A_17 = vector.load %arg4[%get3A_15, %get3A_16] : memref<8x8xf32, #tpu.memory_space<vmem>>, vector<8x8xf32>
    %dot_general3A = arith.constant dense<0.000000e+00> : vector<8192x8xf32>
    %dot_general3A_18 = tpu.matmul %reshape3A, %get3A_17, %dot_general3A {dimension_numbers = #tpu.dot_dimension_numbers<[1], [0], [0], [1], [0, 0, 1, 1], [], []>, transpose_lhs_hint = false} : vector<8192x8xf32>, vector<8x8xf32>, vector<8192x8xf32> -> vector<8192x8xf32>
    %mul3A = arith.constant 0.999994993 : f32
    %mul3A_19 = vector.broadcast %mul3A : f32 to vector<8192x8xf32>
    %mul3A_20 = arith.mulf %dot_general3A_18, %mul3A_19 : vector<8192x8xf32>
    %get3A_21 = arith.constant 0 : index
    %get3A_22 = arith.constant 0 : index
    %get3A_23 = vector.load %arg5[%get3A_21, %get3A_22] : memref<1x8xf32, #tpu.memory_space<vmem>>, vector<1x8xf32>
    %mul3A_24 = vector.broadcast %get3A_23 : vector<1x8xf32> to vector<8192x8xf32>
    %mul3A_25 = arith.mulf %mul3A_20, %mul3A_24 : vector<8192x8xf32>
    %get3A_26 = arith.constant 0 : index
    %get3A_27 = arith.constant 0 : index
    %get3A_28 = vector.load %arg6[%get3A_26, %get3A_27] : memref<1x8xf32, #tpu.memory_space<vmem>>, vector<1x8xf32>
    %add3A = vector.broadcast %get3A_28 : vector<1x8xf32> to vector<8192x8xf32>
    %add3A_29 = arith.addf %mul3A_25, %add3A : vector<8192x8xf32>
    %max3A = arith.constant 0.000000e+00 : f32
    %max3A_30 = vector.broadcast %max3A : f32 to vector<8192x8xf32>
    %max3A_31 = arith.maximumf %add3A_29, %max3A_30 : vector<8192x8xf32>
    %get3A_32 = arith.constant 0 : index
    %get3A_33 = arith.constant 0 : index
    %get3A_34 = vector.load %arg7[%get3A_32, %get3A_33] : memref<8x32xf32, #tpu.memory_space<vmem>>, vector<8x32xf32>
    %dot_general3A_35 = arith.constant dense<0.000000e+00> : vector<8192x32xf32>
    %dot_general3A_36 = tpu.matmul %max3A_31, %get3A_34, %dot_general3A_35 {dimension_numbers = #tpu.dot_dimension_numbers<[1], [0], [0], [1], [0, 0, 1, 1], [], []>, transpose_lhs_hint = false} : vector<8192x8xf32>, vector<8x32xf32>, vector<8192x32xf32> -> vector<8192x32xf32>
    %get3A_37 = arith.constant 0 : index
    %get3A_38 = arith.constant 0 : index
    %get3A_39 = vector.load %arg8[%get3A_37, %get3A_38] : memref<1x32xf32, #tpu.memory_space<vmem>>, vector<1x32xf32>
    %add3A_40 = vector.broadcast %get3A_39 : vector<1x32xf32> to vector<8192x32xf32>
    %add3A_41 = arith.addf %dot_general3A_36, %add3A_40 : vector<8192x32xf32>
    %reshape3A_42 = vector.shape_cast %add3A_41 : vector<8192x32xf32> to vector<16x512x32xf32>
    %broadcast_in_dim3A_43 = vector.shape_cast %slice3A_12 : vector<512x32xf32> to vector<1x512x32xf32>
    %sub3A_44 = vector.broadcast %broadcast_in_dim3A_43 : vector<1x512x32xf32> to vector<16x512x32xf32>
    %sub3A_45 = arith.subf %sub3A_44, %slice3A : vector<16x512x32xf32>
    %add3A_46 = arith.addf %sub3A_45, %reshape3A_42 : vector<16x512x32xf32>
    %mul3A_47 = arith.constant 0.999994993 : f32
    %mul3A_48 = vector.broadcast %mul3A_47 : f32 to vector<16x512x32xf32>
    %mul3A_49 = arith.mulf %add3A_46, %mul3A_48 : vector<16x512x32xf32>
    %get3A_50 = arith.constant 0 : index
    %get3A_51 = arith.constant 0 : index
    %get3A_52 = vector.load %arg9[%get3A_50, %get3A_51] : memref<1x32xf32, #tpu.memory_space<vmem>>, vector<1x32xf32>
    %broadcast_in_dim3A_53 = vector.shape_cast %get3A_52 : vector<1x32xf32> to vector<1x1x32xf32>
    %mul3A_54 = vector.broadcast %broadcast_in_dim3A_53 : vector<1x1x32xf32> to vector<16x512x32xf32>
    %mul3A_55 = arith.mulf %mul3A_49, %mul3A_54 : vector<16x512x32xf32>
    %get3A_56 = arith.constant 0 : index
    %get3A_57 = arith.constant 0 : index
    %get3A_58 = vector.load %arg10[%get3A_56, %get3A_57] : memref<1x32xf32, #tpu.memory_space<vmem>>, vector<1x32xf32>
    %broadcast_in_dim3A_59 = vector.shape_cast %get3A_58 : vector<1x32xf32> to vector<1x1x32xf32>
    %add3A_60 = vector.broadcast %broadcast_in_dim3A_59 : vector<1x1x32xf32> to vector<16x512x32xf32>
    %add3A_61 = arith.addf %mul3A_55, %add3A_60 : vector<16x512x32xf32>
    %max3A_62 = arith.constant 0.000000e+00 : f32
    %max3A_63 = vector.broadcast %max3A_62 : f32 to vector<16x512x32xf32>
    %max3A_64 = arith.maximumf %add3A_61, %max3A_63 : vector<16x512x32xf32>
    %reshape3A_65 = vector.shape_cast %max3A_64 : vector<16x512x32xf32> to vector<8192x32xf32>
    %get3A_66 = arith.constant 0 : index
    %get3A_67 = arith.constant 0 : index
    %get3A_68 = vector.load %arg11[%get3A_66, %get3A_67] : memref<32x32xf32, #tpu.memory_space<vmem>>, vector<32x32xf32>
    %dot_general3A_69 = arith.constant dense<0.000000e+00> : vector<8192x32xf32>
    %dot_general3A_70 = tpu.matmul %reshape3A_65, %get3A_68, %dot_general3A_69 {dimension_numbers = #tpu.dot_dimension_numbers<[1], [0], [0], [1], [0, 0, 1, 1], [], []>, transpose_lhs_hint = false} : vector<8192x32xf32>, vector<32x32xf32>, vector<8192x32xf32> -> vector<8192x32xf32>
    %mul3A_71 = arith.constant 0.999994993 : f32
    %mul3A_72 = vector.broadcast %mul3A_71 : f32 to vector<8192x32xf32>
    %mul3A_73 = arith.mulf %dot_general3A_70, %mul3A_72 : vector<8192x32xf32>
    %get3A_74 = arith.constant 0 : index
    %get3A_75 = arith.constant 0 : index
    %get3A_76 = vector.load %arg12[%get3A_74, %get3A_75] : memref<1x32xf32, #tpu.memory_space<vmem>>, vector<1x32xf32>
    %mul3A_77 = vector.broadcast %get3A_76 : vector<1x32xf32> to vector<8192x32xf32>
    %mul3A_78 = arith.mulf %mul3A_73, %mul3A_77 : vector<8192x32xf32>
    %get3A_79 = arith.constant 0 : index
    %get3A_80 = arith.constant 0 : index
    %get3A_81 = vector.load %arg13[%get3A_79, %get3A_80] : memref<1x32xf32, #tpu.memory_space<vmem>>, vector<1x32xf32>
    %add3A_82 = vector.broadcast %get3A_81 : vector<1x32xf32> to vector<8192x32xf32>
    %add3A_83 = arith.addf %mul3A_78, %add3A_82 : vector<8192x32xf32>
    %max3A_84 = arith.constant 0.000000e+00 : f32
    %max3A_85 = vector.broadcast %max3A_84 : f32 to vector<8192x32xf32>
    %max3A_86 = arith.maximumf %add3A_83, %max3A_85 : vector<8192x32xf32>
    %get3A_87 = arith.constant 0 : index
    %get3A_88 = arith.constant 0 : index
    %get3A_89 = vector.load %arg14[%get3A_87, %get3A_88] : memref<32x32xf32, #tpu.memory_space<vmem>>, vector<32x32xf32>
    %dot_general3A_90 = arith.constant dense<0.000000e+00> : vector<8192x32xf32>
    %dot_general3A_91 = tpu.matmul %max3A_86, %get3A_89, %dot_general3A_90 {dimension_numbers = #tpu.dot_dimension_numbers<[1], [0], [0], [1], [0, 0, 1, 1], [], []>, transpose_lhs_hint = false} : vector<8192x32xf32>, vector<32x32xf32>, vector<8192x32xf32> -> vector<8192x32xf32>
    %get3A_92 = arith.constant 0 : index
    %get3A_93 = arith.constant 0 : index
    %get3A_94 = vector.load %arg15[%get3A_92, %get3A_93] : memref<1x32xf32, #tpu.memory_space<vmem>>, vector<1x32xf32>
    %add3A_95 = vector.broadcast %get3A_94 : vector<1x32xf32> to vector<8192x32xf32>
    %add3A_96 = arith.addf %dot_general3A_91, %add3A_95 : vector<8192x32xf32>
    %reshape3A_97 = vector.shape_cast %add3A_96 : vector<8192x32xf32> to vector<16x512x32xf32>
    %reduce_max3A = arith.constant dense<0xFF800000> : vector<512x32xf32>
    %reduce_max3A_98 = vector.multi_reduction <maximumf>, %reshape3A_97, %reduce_max3A [0] : vector<16x512x32xf32> to vector<512x32xf32>
    %broadcast_in_dim3A_99 = vector.shape_cast %reduce_max3A_98 : vector<512x32xf32> to vector<1x512x32xf32>
    %sub3A_100 = vector.broadcast %broadcast_in_dim3A_99 : vector<1x512x32xf32> to vector<16x512x32xf32>
    %sub3A_101 = arith.subf %reshape3A_97, %sub3A_100 : vector<16x512x32xf32>
    %exp3A = math.exp %sub3A_101 : vector<16x512x32xf32>
    %reduce_sum3A = arith.constant dense<0.000000e+00> : vector<512x32xf32>
    %reduce_sum3A_102 = vector.multi_reduction <add>, %exp3A, %reduce_sum3A [0] : vector<16x512x32xf32> to vector<512x32xf32>
    %broadcast_in_dim3A_103 = vector.shape_cast %reduce_sum3A_102 : vector<512x32xf32> to vector<1x512x32xf32>
    %div3A = vector.broadcast %broadcast_in_dim3A_103 : vector<1x512x32xf32> to vector<16x512x32xf32>
    %div3A_104 = arith.divf %exp3A, %div3A : vector<16x512x32xf32>
    %add3A_105 = arith.addf %slice3A_10, %reshape3A_42 : vector<16x512x32xf32>
    %mul3A_106 = arith.mulf %add3A_105, %div3A_104 : vector<16x512x32xf32>
    %reduce_sum3A_107 = arith.constant dense<0.000000e+00> : vector<512x32xf32>
    %reduce_sum3A_108 = vector.multi_reduction <add>, %mul3A_106, %reduce_sum3A_107 [0] : vector<16x512x32xf32> to vector<512x32xf32>
    %swap3A = arith.constant 0 : index
    %swap3A_109 = arith.constant 0 : index
    %swap3A_110 = arith.constant 0 : index
    %swap3A_111 = vector.load %arg16[%swap3A, %swap3A_109, %swap3A_110] : memref<1x512x32xf32, #tpu.memory_space<vmem>>, vector<1x512x32xf32>
    %swap3A_112 = vector.shape_cast %swap3A_111 : vector<1x512x32xf32> to vector<512x32xf32>
    %swap3A_113 = vector.shape_cast %reduce_sum3A_108 : vector<512x32xf32> to vector<1x512x32xf32>
    tpu.vector_store %arg16[%swap3A, %swap3A_109, %swap3A_110], %swap3A_113 {strides = array<i32>} : memref<1x512x32xf32, #tpu.memory_space<vmem>>, vector<1x512x32xf32>,
    return
  }
  func.func @transform_0(%arg0: i32, %arg1: i32) -> (i32, i32, i32, i32) {
    %c0_i32 = arith.constant 0 : i32
    %c0_i32_0 = arith.constant 0 : i32
    %c0_i32_1 = arith.constant 0 : i32
    return %arg0, %c0_i32, %arg1, %c0_i32_0 : i32, i32, i32, i32
  }
  func.func @transform_1(%arg0: i32, %arg1: i32) -> (i32, i32, i32) {
    %c0_i32 = arith.constant 0 : i32
    %c0_i32_0 = arith.constant 0 : i32
    return %arg0, %arg1, %c0_i32 : i32, i32, i32
  }
  func.func @transform_2(%arg0: i32, %arg1: i32) -> (i32, i32) {
    %c0_i32 = arith.constant 0 : i32
    %c0_i32_0 = arith.constant 0 : i32
    %c0_i32_1 = arith.constant 0 : i32
    return %c0_i32, %c0_i32_0 : i32, i32
  }
  func.func @transform_3(%arg0: i32, %arg1: i32) -> (i32, i32) {
    %c0_i32 = arith.constant 0 : i32
    %c0_i32_0 = arith.constant 0 : i32
    %c0_i32_1 = arith.constant 0 : i32
    return %c0_i32, %c0_i32_0 : i32, i32
  }
  func.func @transform_4(%arg0: i32, %arg1: i32) -> (i32, i32) {
    %c0_i32 = arith.constant 0 : i32
    %c0_i32_0 = arith.constant 0 : i32
    %c0_i32_1 = arith.constant 0 : i32
    return %c0_i32, %c0_i32_0 : i32, i32
  }
  func.func @transform_5(%arg0: i32, %arg1: i32) -> (i32, i32) {
    %c0_i32 = arith.constant 0 : i32
    %c0_i32_0 = arith.constant 0 : i32
    %c0_i32_1 = arith.constant 0 : i32
    return %c0_i32, %c0_i32_0 : i32, i32
  }
  func.func @transform_6(%arg0: i32, %arg1: i32) -> (i32, i32) {
    %c0_i32 = arith.constant 0 : i32
    %c0_i32_0 = arith.constant 0 : i32
    %c0_i32_1 = arith.constant 0 : i32
    return %c0_i32, %c0_i32_0 : i32, i32
  }
  func.func @transform_7(%arg0: i32, %arg1: i32) -> (i32, i32) {
    %c0_i32 = arith.constant 0 : i32
    %c0_i32_0 = arith.constant 0 : i32
    %c0_i32_1 = arith.constant 0 : i32
    return %c0_i32, %c0_i32_0 : i32, i32
  }
  func.func @transform_8(%arg0: i32, %arg1: i32) -> (i32, i32) {
    %c0_i32 = arith.constant 0 : i32
    %c0_i32_0 = arith.constant 0 : i32
    %c0_i32_1 = arith.constant 0 : i32
    return %c0_i32, %c0_i32_0 : i32, i32
  }
  func.func @transform_9(%arg0: i32, %arg1: i32) -> (i32, i32) {
    %c0_i32 = arith.constant 0 : i32
    %c0_i32_0 = arith.constant 0 : i32
    %c0_i32_1 = arith.constant 0 : i32
    return %c0_i32, %c0_i32_0 : i32, i32
  }
  func.func @transform_10(%arg0: i32, %arg1: i32) -> (i32, i32) {
    %c0_i32 = arith.constant 0 : i32
    %c0_i32_0 = arith.constant 0 : i32
    %c0_i32_1 = arith.constant 0 : i32
    return %c0_i32, %c0_i32_0 : i32, i32
  }
  func.func @transform_11(%arg0: i32, %arg1: i32) -> (i32, i32) {
    %c0_i32 = arith.constant 0 : i32
    %c0_i32_0 = arith.constant 0 : i32
    %c0_i32_1 = arith.constant 0 : i32
    return %c0_i32, %c0_i32_0 : i32, i32
  }
  func.func @transform_12(%arg0: i32, %arg1: i32) -> (i32, i32) {
    %c0_i32 = arith.constant 0 : i32
    %c0_i32_0 = arith.constant 0 : i32
    %c0_i32_1 = arith.constant 0 : i32
    return %c0_i32, %c0_i32_0 : i32, i32
  }
  func.func @transform_13(%arg0: i32, %arg1: i32) -> (i32, i32) {
    %c0_i32 = arith.constant 0 : i32
    %c0_i32_0 = arith.constant 0 : i32
    %c0_i32_1 = arith.constant 0 : i32
    return %c0_i32, %c0_i32_0 : i32, i32
  }
  func.func @transform_14(%arg0: i32, %arg1: i32) -> (i32, i32, i32) {
    %c0_i32 = arith.constant 0 : i32
    %c0_i32_0 = arith.constant 0 : i32
    return %arg0, %arg1, %c0_i32 : i32, i32, i32
  }
}

</mosaic_0001>

<sc_bundles>
// kernel: kernel.5.cloned.1.call-start
scs
__scs_entry_jumppad:
0x0: {  	(pc) =	sbr.rel $0x88, $3  }
0x1: {  	(tag) =	ssettag $0x0;
	lr =	simm.s32 $0x1  }
0x2: {  	[smem:$0x3F8D] =	sst lr;
	_ =	strace $0xD0000000  }
0x3: {  	_ = 	snop  }
0x4: {  	_ = 	snop  }
0x5: {  	_ = 	snop  }
0x6: {  	_ = 	snop  }
0x7: {  	_ = 	snop  }
__scs_overlays_trampoline_lowered:
0x8: {  	[smem:$0x3F9C] =	sst s0  }
0x9: {  	[smem:$0x3F9D] =	sst s1  }
0xa: {  	[smem:$0x3F9E] =	sst s2  }
0xb: {  	[smem:$0x3F9F] =	sst s3  }
0xc: {  	[smem:$0x3FA0] =	sst s4  }
0xd: {  	[smem:$0x3FA1] =	sst s5  }
0xe: {  	[smem:$0x3FA2] =	sst s6  }
0xf: {  	[smem:$0x3FA3] =	sst s7  }
0x10: {  	[smem:$0x3FA4] =	sst s8  }
0x11: {  	[smem:$0x3FA5] =	sst s9;
	s0 =	simm.s32 @!p0 $0x0  }
0x12: {  	s1 =	sld [smem:$0x3F8B];
	s0 =	simm.s32 @p0 $0x1  }
0x13: {  	[smem:$0x3FA6] =	sst s0;
	s0 =	simm.s32 @!p1 $0x0  }
0x14: {  	s2 =	sld [smem:$0x3F8A];
	s0 =	simm.s32 @p1 $0x1  }
0x15: {  	[smem:$0x3FA7] =	sst s0;
	s0 =	simm.s32 @!p2 $0x0  }
0x16: {  	s3 =	sld [smem:$0x3FDB];
	s0 =	simm.s32 @p2 $0x1  }
0x17: {  	s4 =	simm.s32 $0x1BF5;
	[smem:$0x3FA9] =	sst s0  }
0x18: {  	s0 =	sld [smem:$0x3F8C];
	_ =	swait.ge [sflag:s4], $0x0  }
0x19: {  	s7 =	sld [smem:$0x3F8D]  }
0x1a: {  	s8 =	sadd.s32 $0xFFFFE003, lr  }
0x1b: {  	s9 =	sadd.s32 $0xFFFFFEF7, lr;
	s5 =	simm.s32 $0xFFFFFFFF;
	p2 =	slt.u32 s8, $0xFFFFF086  }
0x1c: {  	p1 =	slt.u32 s9, $0xF7A;
	s5 =	simm.s32 @!p2 $0x0  }
0x1d: {  	s5 =	simm.s32 @p1 $0x1;
	p0 =	seq.s32 s7, s2  }
0x1e: {  	s7 =	smul.u32 @!p0 $0xF7A, s2;
	p2 =	seq.s32 @!p0 s5, $0x0  }
0x1f: {  	s9 =	smul.u32 $0xF7A, s1;
	s8 =	simm.s32 @!p0 $0x1BF5;
	p2 =	por !p2, p0  }
0x20: {  	[sflag:s8] =	ssyncset.s32 @!p0 $0xFFFFF086;
	s6 =	sadd.s32 @!p0 s3, s7;
	s7 =	simm.s32 @!p0 $0x108  }
0x21: {  	s3 =	sadd.s32 s3, s9;
	s6 =	sadd.s32 @!p0 $0x88, s6;
	s7 =	simm.s32 @p2 $0x1082  }
0x22: {  	[simem:s7], [sflag:s8] =	dma.local @!p0 [hbm:s6], $0xF7A  }
0x23: {  	s9 =	sor.u32 $0xD0000000, s2;
	s6 =	simm.s32 $0x108;
	_ =	swait.ge @!p0 [sflag:s8], $0x0  }
0x24: {  	s3 =	sadd.s32 $0x88, s3;
	s6 =	simm.s32 @!p1 $0x1082;
	[sflag:s4] =	ssyncset.s32 $0xFFFFF086  }
0x25: {  	[simem:s6], [sflag:s4] =	dma.local [hbm:s3], $0xF7A  }
0x26: {  	[smem:$0x3F8D] =	sst s1;
	(tag) =	ssettag s2;
	_ =	strace s9  }
0x27: {  	s1 =	sld [smem:$0x3F9D]  }
0x28: {  	s2 =	sld [smem:$0x3F9E]  }
0x29: {  	s4 =	sld [smem:$0x3FA0]  }
0x2a: {  	p0 =	seq.s32 s5, $0x0;
	s5 =	sld [smem:$0x3FA1]  }
0x2b: {  	s6 =	sld [smem:$0x3FA2]  }
0x2c: {  	s7 =	sld [smem:$0x3FA3]  }
0x2d: {  	s3 =	simm.s32 $0x108;
	s8 =	sld [smem:$0x3FA4]  }
0x2e: {  	s3 =	simm.s32 @!p0 $0x1082;
	s9 =	sld [smem:$0x3FA5]  }
0x2f: {  	lr =	sadd.s32 s0, s3;
	s0 =	sld [smem:$0x3F9C]  }
0x30: {  	s3 =	sld [smem:$0x3F9F]  }
0x31: {  	[smem:$0x3FA8] =	sst s10  }
0x32: {  	s10 =	sld [smem:$0x3FA6];
	_ =	sdelay $0x3  }
0x33: {  	p0 =	seq.s32 s10, $0x1;
	s10 =	sld [smem:$0x3FA8];
	_ =	sdelay $0x3  }
0x34: {  	[smem:$0x3FA8] =	sst s10  }
0x35: {  	s10 =	sld [smem:$0x3FA7];
	_ =	sdelay $0x3  }
0x36: {  	p1 =	seq.s32 s10, $0x1;
	s10 =	sld [smem:$0x3FA8];
	_ =	sdelay $0x3  }
0x37: {  	[smem:$0x3FA8] =	sst s10  }
0x38: {  	s10 =	sld [smem:$0x3FA9]  }
0x39: {  	_ = 	snop;
	(pc) =	sbr.ind lr, $3  }
0x3a: {  	_ = 	snop  }
0x3b: {  	_ = 	snop  }
0x3c: {  	p2 =	seq.s32 s10, $0x1;
	s10 =	sld [smem:$0x3FA8]  }
0x3d: {  	_ =	shalt  }
0x3e: {  	_ =	shalt  }
0x3f: {  	_ =	shalt  }
0x40: {  	_ =	shalt  }
0x41: {  	_ =	shalt  }
0x42: {  	_ =	shalt  }
0x43: {  	_ =	shalt  }
0x44: {  	_ =	shalt  }
0x45: {  	_ =	shalt  }
0x46: {  	_ =	shalt  }
0x47: {  	_ =	shalt  }
0x48: {  	_ =	shalt  }
0x49: {  	_ =	shalt  }
0x4a: {  	_ =	shalt  }
0x4b: {  	_ =	shalt  }
0x4c: {  	_ =	shalt  }
0x4d: {  	_ =	shalt  }
0x4e: {  	_ =	shalt  }
0x4f: {  	_ =	shalt  }
0x50: {  	_ =	shalt  }
0x51: {  	_ =	shalt  }
0x52: {  	_ =	shalt  }
0x53: {  	_ =	shalt  }
0x54: {  	_ =	shalt  }
0x55: {  	_ =	shalt  }
0x56: {  	_ =	shalt  }
0x57: {  	_ =	shalt  }
0x58: {  	_ =	shalt  }
0x59: {  	_ =	shalt  }
0x5a: {  	_ =	shalt  }
0x5b: {  	_ =	shalt  }
0x5c: {  	_ =	shalt  }
0x5d: {  	_ =	shalt  }
0x5e: {  	_ =	shalt  }
0x5f: {  	_ =	shalt  }
0x60: {  	_ =	shalt  }
0x61: {  	_ =	shalt  }
0x62: {  	_ =	shalt  }
0x63: {  	_ =	shalt  }
0x64: {  	_ =	shalt  }
0x65: {  	_ =	shalt  }
0x66: {  	_ =	shalt  }
0x67: {  	_ =	shalt  }
0x68: {  	_ =	shalt  }
0x69: {  	_ =	shalt  }
0x6a: {  	_ =	shalt  }
0x6b: {  	_ =	shalt  }
0x6c: {  	_ =	shalt  }
0x6d: {  	_ =	shalt  }
0x6e: {  	_ =	shalt  }
0x6f: {  	_ =	shalt  }
0x70: {  	_ =	shalt  }
0x71: {  	_ =	shalt  }
0x72: {  	_ =	shalt  }
0x73: {  	_ =	shalt  }
0x74: {  	_ =	shalt  }
0x75: {  	_ =	shalt  }
0x76: {  	_ =	shalt  }
0x77: {  	_ =	shalt  }
0x78: {  	_ =	shalt  }
0x79: {  	_ =	shalt  }
0x7a: {  	_ =	shalt  }
0x7b: {  	_ =	shalt  }
0x7c: {  	_ =	shalt  }
0x7d: {  	_ =	shalt  }
0x7e: {  	_ =	shalt  }
0x7f: {  	_ =	shalt  }
0x80: {  	_ =	shalt  }
0x81: {  	_ =	shalt  }
0x82: {  	_ =	shalt  }
0x83: {  	_ =	shalt  }
0x84: {  	_ =	shalt  }
0x85: {  	_ =	shalt  }
0x86: {  	_ =	shalt  }
0x87: {  	_ =	shalt  }
.Lfunc_end0:
.L_simem_size_0:
called_computation_lowered:
.L_overlay_start_0:
0x88: {  	s2 =	sld [smem:$0x3FD9]  }
0x89: {  	s3 =	sld [smem:$0x3FFE];
	_ =	sdelay $0x1  }
0x8a: {  	s1 =	srdreg.scid  }
0x8b: {  	s0 =	sand.u32 $0x1, s1  }
0x8c: {  	s14 =	sshll.u32 s0, $0xA;
	s2 =	sadd.s32 s3, s2  }
0x8d: {  	s2 =	sadd.s32 s2, s14  }
0x8e: {  	[smem:$0x3FB4] =	sst s2  }
0x8f: {  	_ = 	snop  }
0x90: {  	s2 =	sld [smem:$0x3FD0];
	_ =	sdelay $0x2  }
0x91: {  	s15 =	simm.s32 $0xA;
	s4 =	simm.s32 $0x10  }
0x92: {  	[smem:s4], [sflag:s15] =	dma.local [hbm:s2], $0x1  }
0x93: {  	_ =	swait.eq [sflag:s15], $0x1  }
0x94: {  	[sflag:s15] =	ssyncset.done $0x0  }
0x95: {  	[sflag:s15] =	ssyncadd.s32 $0xFFFFFFFF  }
0x96: {  	s16 =	sld [smem:$0x11];
	(tm) =	ssettm $0x1  }
0x97: {  	s17 =	sld [smem:$0x3FFB];
	_ =	sdelay $0x3  }
0x98: {  	_ =	strace s17  }
0x99: {  	s3 =	sld [smem:$0x3FFC];
	_ =	sdelay $0x3  }
0x9a: {  	_ =	strace s3  }
0x9b: {  	s3 =	sld [smem:$0x3FFD];
	_ =	sdelay $0x3  }
0x9c: {  	_ =	strace s3  }
0x9d: {  	_ =	strace $0x8FFFFFFF  }
0x9e: {  	s18 =	sld [smem:$0x3FDB];
	_ =	sdelay $0x1  }
0x9f: {  	s19 =	simm.s32 $_scs_section_size  }
0xa0: {  	s5 =	simm.s32 $_size__tile_overlayer_lowered;
	s6 =	simm.s32 $_tile_overlayer_lowered  }
0xa1: {  	s22 =	simm.s32 $0x1BFF;
	s21 =	sshll.u32 s6, $0x1;
	s3 =	sadd.s32 s19, s18  }
0xa2: {  	s7 =	simm.s32 $0x0;
	s20 =	sshll.u32 s5, $0x1;
	s5 =	sadd.s32 s21, s3  }
0xa3: {  	[timem:s7], [sflag:s22] =	dma.local [hbm:s5], s20  }
0xa4: {  	_ =	swait.ge [sflag:s22], s20  }
0xa5: {  	s4 =	ssub.s32 $0x0, s20;
	[sflag:s22] =	ssyncset.done $0x0  }
0xa6: {  	[sflag:s22] =	ssyncadd.s32 s4;
	_ =	sdelay $0x1  }
0xa7: {  	s23 =	simm.s32 $0x1B8B  }
0xa8: {  	_ =	swait.ge [sflag:s23], $0x1  }
0xa9: {  	[sflag:s23] =	ssyncset.done $0x0  }
0xaa: {  	s25 =	simm.s32 $0x1B8E;
	s24 =	sld [smem:$0x3FFE];
	[sflag:s23] =	ssyncadd.s32 $0xFFFFFFFF  }
0xab: {  	s26 =	simm.s32 $execute0_lowered;
	[smem:$0x3FD2] =	sst s25  }
0xac: {  	s5 =	sshll.u32 s26, $0x1;
	_ =	strace $0x80000046;
	[dreg:$0x1] =	wrdreg $0xFFFFFFFF  }
0xad: {  	s28 =	simm.s32 $_size_execute0_lowered;
	s3 =	sadd.s32 s3, s5;
	[dreg:$0x0] =	wrdreg $0x0  }
0xae: {  	s5 =	sshll.u32 s28, $0x1;
	[dreg:$0x2] =	wrdreg s3  }
0xaf: {  	[dreg:$0x3] =	wrdreg s5  }
0xb0: {  	[dreg:$0x4] =	wrdreg $0xC0  }
0xb1: {  	_ =	task [dreg:s7], $0x5FFFF  }
0xb2: {  	[dreg:$0x1] =	wrdreg $0xFFFFFFFF  }
0xb3: {  	[dreg:$0x0] =	wrdreg $0x60  }
0xb4: {  	[dreg:$0x2] =	wrdreg s24  }
0xb5: {  	[dreg:$0x3] =	wrdreg s16  }
0xb6: {  	[dreg:$0x4] =	wrdreg $0x9  }
0xb7: {  	_ =	task.clear_ibuf [dreg:s7], $0x5FFFF;
	_ =	strace $0x90000046  }
0xb8: {  	s29 =	simm.s32 $0x9;
	_ =	strace $0x80000048  }
0xb9: {  	_ =	swait.ge [sflag:s29], $0x1  }
0xba: {  	[sflag:s29] =	ssyncadd.s32 $0xFFFFFFFF  }
0xbb: {  	_ =	strace $0x90000048  }
0xbc: {  	_ =	sfence  }
0xbd: {  	s30 =	sld [smem:$0x0];
	_ =	sdelay $0x2  }
0xbe: {  	s31 =	sshll.u32 s1, $0xD;
	s1 =	sshrl.u32 s1, $0x2  }
0xbf: {  	s3 =	sand.u32 $0x4000, s31;
	s1 =	sadd.s32 s1, s30  }
0xc0: {  	s0 =	sor.u32 s3, s0;
	s1 =	sshll.u32 s1, $0x11  }
0xc1: {  	s0 =	sor.u32 s1, s0  }
0xc2: {  	s0 =	sadd.s32 $0x8F2B, s0  }
0xc3: {  	[sflag:s0] =	ssyncadd.remote.s32 $0x1  }
0xc4: {  	_ =	sfence.sel $0xFFFF  }
0xc5: {  	[dreg:$0x0] =	wrdreg $0xFFFFFFFF;
	(pc) =	sbr.abs _section_cstart, $3  }
0xc6: {  	[dreg:$0x1] =	wrdreg $0xFFFFFFFF  }
0xc7: {  	_ =	task.clear_ibuf [dreg:s7], $0x2FFFF;
	_ =	strace $0x9FFFFFFF  }
0xc8: {  	(tm) =	ssettm $0x7FFFFFFF  }
0xc9: {  	_ =	shalt  }
tec
execute0_lowered:
.L_overlay_start_1:
0x0: {  	(tag) =	ssettag $0x1  }
0x1: {  	s4 =	rddreg [dreg:$0x0]  }
0x2: {  	s5 =	rddreg [dreg:$0x1]  }
0x3: {  	s0 =	rddreg [dreg:$0x2];
	s2 =	simm.s32 $0x0;
	s1 =	stileid.u32  }
0x4: {  	s6 =	srdreg.scid;
	s11 =	simm.s32 $0x0;
	[smem:$0x7FF] =	sst s2  }
0x5: {  	s3 =	sadd.s32 $0x3000, s4;
	s7 =	sshll.u32 s1, $0x12;
	s6 =	sand.u32 $0x1, s6  }
0x6: {  	s9 =	sshll.u32 s1, $0xE;
	_ =	strace $0x80000047;
	s8 =	ssub.s32 $0x2, s6  }
0x7: {  	s10 =	sshll.u32 s6, $0xD;
	s7 =	sadd.s32 s7, s4;
	s6 =	sshll.u32 s6, $0x11  }
0x8: {  	s30 =	sshrl.u32 s8, $0x1;
	s9 =	sor.u32 s10, s9;
	s6 =	sadd.s32 s6, s7  }
0x9: {  	s7 =	simm.s32 $0x2;
	s10 =	simm.s32 $0x1;
	s8 =	ssub.s32 s8, s30  }
0xa: {  	s31 =	sshrl.u32 s9, $0x3;
	s6 =	sadd.s32 $0x43000, s6;
	s9 =	simm.s32 $0x2000  }
0xb: {  	s4 =	sadd.s32 s5, s31;
	s5 =	smax.u32 s8, $0x1;
	s8 =	simm.s32 $0x80  }
.LBB2_1:
0xc: {  	[tilespmem:s2], [sflag:$0x2] =	stream.linear.gather [hbm4b:s4+s2], $0x2000, $0x38;
	[tilespmem:$0x6000] =	vst v63  }
0xd: {  	_ =	swait.ge [sflag:s7], $0x2000  }
0xe: {  	[sflag:s7] =	ssyncset.done $0x0  }
0xf: {  	s12 =	simm.s32 $0x0;
	[sflag:s7] =	ssyncadd.s32 $0xFFFFE000  }
0x10: {  	[tilespmem:s9], [sflag:$0x1] =	stream.indirect.gather [hbm4b:s3+s8], $0x80, s12, s8, $0xb8;
	[tilespmem:$0x6000] =	vst v63  }
0x11: {  	_ =	swait.ge [sflag:s10], $0x4000  }
0x12: {  	[sflag:s10] =	ssyncset.done $0x0  }
0x13: {  	[sflag:s10] =	ssyncadd.s32 $0xFFFFC000  }
0x14: {  	[hbm4b:s6+s2] =	stream.linear.scatter [tilespmem:s9], [sflag:$0x2], $0x4000, $0x38;
	[tilespmem:$0x6000] =	vst v63  }
0x15: {  	s13 =	simm.s32 $0x200;
	_ =	swait.ge [sflag:s7], $0x4000  }
0x16: {  	s14 =	simm.s32 $0x400;
	s12 =	sadd.s32 $0x800, s6;
	[sflag:s7] =	ssyncset.done $0x0  }
.LBB2_2:
0x17: {  	s15 =	sshra.s32 s13, $0x2  }
0x18: {  	[sflag:s7] =	ssyncadd.s32 $0xFFFFC000;
	s13 =	smov.u32 s14;
	s16 =	sadd.s32 $0x200, s14  }
0x19: {  	[tilespmem:s9], [sflag:$0x1] =	stream.indirect.gather [hbm4b:s3+s8], $0x80, s15, s8, $0xb8;
	[tilespmem:$0x6000] =	vst v63  }
0x1a: {  	p0 =	sne.s32 s14, $0x7E00;
	_ =	swait.ge [sflag:s10], $0x4000  }
.Ltmp0:
0x1b: {  	[sflag:s10] =	ssyncset.done $0x0;
	(pc) =	sbr.rel @p0 .LBB2_2-.Ltmp0, $4  }
0x1c: {  	[sflag:s10] =	ssyncadd.s32 $0xFFFFC000  }
0x1d: {  	[hbm4b:s12+s2] =	stream.linear.scatter [tilespmem:s9], [sflag:$0x2], $0x4000, $0x38;
	[tilespmem:$0x6000] =	vst v63  }
0x1e: {  	_ =	swait.ge [sflag:s7], $0x4000  }
0x1f: {  	s14 =	smov.u32 s16;
	s12 =	sadd.s32 $0x800, s12;
	[sflag:s7] =	ssyncset.done $0x0  }
0x20: {  	s13 =	sshra.s32 s13, $0x2;
	[sflag:s7] =	ssyncadd.s32 $0xFFFFC000  }
0x21: {  	[tilespmem:s9], [sflag:$0x1] =	stream.indirect.gather [hbm4b:s3+s8], $0x80, s13, s8, $0xb8;
	[tilespmem:$0x6000] =	vst v63  }
0x22: {  	s11 =	sadd.s32 $0x1, s11;
	_ =	swait.ge [sflag:s10], $0x4000  }
0x23: {  	p0 =	sne.s32 s11, s5;
	[sflag:s10] =	ssyncset.done $0x0  }
.Ltmp1:
0x24: {  	[sflag:s10] =	ssyncadd.s32 $0xFFFFC000;
	(pc) =	sbr.rel @p0 .LBB2_1-.Ltmp1, $4  }
0x25: {  	[hbm4b:s12+s2] =	stream.linear.scatter [tilespmem:s9], [sflag:$0x2], $0x4000, $0x38;
	[tilespmem:$0x6000] =	vst v63  }
0x26: {  	_ =	swait.ge [sflag:s7], $0x4000  }
0x27: {  	[sflag:s7] =	ssyncset.done $0x0  }
0x28: {  	[sflag:s7] =	ssyncadd.s32 $0xFFFFC000  }
0x29: {  	_ =	sfence.sel $0x180000  }
0x2a: {  	[bflag:$0x0] =	sbarrier.arrive $0xFFFF  }
0x2b: {  	p0 =	sne.s32 s1, $0x0;
	_ =	strace $0x90000047  }
0x2c: {  	s0 =	sadd.s32 @!p0 $0x100000, s0;
	[bflag:$0x2] =	sbarrier.arrive $0xFFFF  }
0x2d: {  	[sflag:s0] =	ssyncadd.tile.s32 @!p0 $0x1;
	_ =	shalt  }
.Lfunc_end2:
_tile_overlayer_lowered:
.L_overlay_start_2:
0x2e: {  	(tag) =	ssettag $0x2  }
0x2f: {  	s0 =	rddreg [dreg:$0x0];
	s2 =	stileid.u32  }
0x30: {  	s1 =	rddreg [dreg:$0x1];
	p0 =	sne.s32 s2, $0x0  }
0x31: {  	s3 =	rddreg [dreg:$0x2];
	[bflag:$0x3] =	sbarrier.arrive $0xFFFF;
	s2 =	simm.s32 @!p0 $0x1C02  }
0x32: {  	[timem:s3], [sflag:s2] =	dma.local @!p0 [hbm:s0], s1  }
0x33: {  	s0 =	simm.s32 @!p0 $0x2  }
0x34: {  	_ =	swait.ge @!p0 [sflag:s0], s1  }
0x35: {  	s1 =	ssub.s32 @!p0 $0x0, s1;
	[sflag:s0] =	ssyncset.done @!p0 $0x0  }
0x36: {  	[sflag:s0] =	ssyncadd.s32 @!p0 s1  }
0x37: {  	[bflag:$0x3] =	sbarrier.arrive $0xFFFF  }
0x38: {  	_ =	shalt  }

</sc_bundles>
